<compile_context>
chip_gen: v7x
topology: tpu7x:2x2x1
jax: 0.10.2.dev20260603
libtpu: 0.0.44.dev20260713+nightly
codegen_flags: <defaults>
</compile_context>

<pallas_src>
import functools

import jax
import jax.numpy as jnp
from jax import lax
from jax.experimental import pallas as pl
from jax.experimental.pallas import tpu as pltpu
from jax.experimental.pallas import tpu_sc as plsc

D = 64
DP = 128
NW = 32
SCALE = 1000.0


def _emb_body(rows_per_w, row_len, lut_hbm, idx_hbm, out_hbm, idx_v, buf0,
              buf1, sem0, sem1):
    wid = lax.axis_index("s") * 2 + lax.axis_index("c")
    base = wid * rows_per_w
    pltpu.sync_copy(idx_hbm.at[pl.ds(base, rows_per_w)], idx_v)

    bufs = (buf0, buf1)
    sems = (sem0, sem1)

    def gather_start(r, b):
        pltpu.make_async_copy(lut_hbm.at[idx_v.at[r]], bufs[b], sems[b]).start()

    def finish_row(r, b):
        buf = bufs[b]
        pltpu.make_async_copy(lut_hbm.at[idx_v.at[r]], buf, sems[b]).wait()

        def scale_rows(i, carry):
            for u in range(4):
                for q in range(D // 16):
                    sl = (i * 4 + u, pl.ds(q * 16, 16))
                    buf[sl] = buf[sl] * SCALE
            return carry

        lax.fori_loop(0, row_len // 4, scale_rows, 0)
        pltpu.sync_copy(buf, out_hbm.at[base + r].at[:, pl.ds(0, D)])

    gather_start(0, 0)

    def pair_body(r2, carry):
        r = r2 * 2
        gather_start(r + 1, 1)
        finish_row(r, 0)

        @pl.when(r + 2 < rows_per_w)
        def _():
            gather_start(r + 2, 0)

        finish_row(r + 1, 1)
        return carry

    lax.fori_loop(0, rows_per_w // 2, pair_body, 0)


@jax.jit
def _emb_lookup(lut2, idx2):
    n_rows, row_len = idx2.shape
    rows_per_w = n_rows // NW
    mesh = plsc.VectorSubcoreMesh(core_axis_name="c", subcore_axis_name="s")
    kern = pl.kernel(
        functools.partial(_emb_body, rows_per_w, row_len),
        out_type=jax.ShapeDtypeStruct((n_rows, row_len, DP), jnp.float32),
        mesh=mesh,
        scratch_types=[
            pltpu.VMEM((rows_per_w, row_len), jnp.int32),
            pltpu.VMEM((row_len, D), jnp.float32),
            pltpu.VMEM((row_len, D), jnp.float32),
            pltpu.SemaphoreType.DMA,
            pltpu.SemaphoreType.DMA,
        ],
        compiler_params=pltpu.CompilerParams(use_tc_tiling_on_sc=False),
    )
    return kern(lut2, idx2)


def kernel(x, lut):
    out_p = _emb_lookup(lut, x.astype(jnp.int32))
    return out_p[:, :, :D]

# --- scband reference (transcript-rebuilt; emitter-appended) ---
"""Pipeline reference for scband-embeddings-68582037782693 (READ-ONLY COPY).

The authoritative reference and input builder live on the scoring server;
editing this copy changes nothing except your own understanding.
"""

import jax, jax.numpy as jnp
import numpy as np
import math

D_MODEL = 1000000  # num_embeddings (module passes d_model as first Embedding arg)
VOCAB = 64         # embedding_dim (module passes vocab as second Embedding arg)

def setup_inputs(seed: int = 0) -> dict:
    key = jax.random.key(seed)
    k1, k2 = jax.random.split(key)
    x = jax.random.randint(k1, (4096, 200), 0, D_MODEL, dtype=jnp.int64) if jax.config.jax_enable_x64 else jax.random.randint(k1, (4096, 200), 0, D_MODEL, dtype=jnp.int32)
    lut = jax.random.normal(k2, (D_MODEL, VOCAB), dtype=jnp.float32)
    return {"x": x, "lut": lut}

def reference(x, lut):
    # Faithful translation: nn.Embedding lookup then scale by sqrt(d_model)
    emb = jnp.take(lut, x, axis=0)
    return emb * math.sqrt(D_MODEL)

if __name__ == "__main__":
    import jax
    _d = setup_inputs()
    print(jax.jit(kernel)(*tuple(_d.values())))

</pallas_src>

<mosaic_0001>
#map = affine_map<(d0, d1) -> (0, 0)>
#map1 = affine_map<(d0, d1) -> (0, 0, 0)>
module attributes {stable_mosaic.version = 14 : i64} {
  func.func @_emb_body(%arg0: i32, %arg1: i32, %arg2: memref<1000000x64xf32, #tpu.memory_space<hbm>>, %arg3: memref<4096x200xi32, #tpu.memory_space<hbm>>, %arg4: memref<4096x200x128xf32, #tpu.memory_space<hbm>>, %arg5: memref<128x200xi32, #tpu.memory_space<vmem>>, %arg6: memref<200x64xf32, #tpu.memory_space<vmem>>, %arg7: memref<200x64xf32, #tpu.memory_space<vmem>>, %arg8: memref<!tpu.dma_semaphore, #tpu.memory_space<semaphore_mem>>, %arg9: memref<!tpu.dma_semaphore, #tpu.memory_space<semaphore_mem>>) attributes {dimension_semantics = [#tpu.dimension_semantics<core_parallel>, #tpu.dimension_semantics<subcore_parallel>], iteration_bounds = array<i64: 2, 16>, scalar_prefetch = 0 : i64, scratch_operands = 5 : i64, tpu.core_type = #tpu.core_type<sc_vector_subcore>, window_params = [{transform_indices = #map}, {transform_indices = #map}, {transform_indices = #map1}]} {
    %mul3A = arith.constant 2 : i32
    %mul3A_0 = arith.muli %arg1, %mul3A : i32
    %add3A = arith.addi %mul3A_0, %arg0 : i32
    %mul3A_1 = arith.constant 128 : i32
    %mul3A_2 = arith.muli %add3A, %mul3A_1 : i32
    "tpu.region"() ({
      %run_scoped3A = tpu.sem_alloc : memref<!tpu.dma_semaphore, #tpu.memory_space<semaphore_mem>>
      %dma_start3A_14 = arith.constant 0 : i32
      %dma_start3A_15 = tpu.memref_slice %arg3[%mul3A_2, %dma_start3A_14] : memref<4096x200xi32, #tpu.memory_space<hbm>> -> memref<128x200xi32, #tpu.memory_space<hbm>>
      %dma_start3A_16 = arith.constant 0 : i32
      %dma_start3A_17 = tpu.memref_slice %arg3[%mul3A_2, %dma_start3A_16] : memref<4096x200xi32, #tpu.memory_space<hbm>> -> memref<128x200xi32, #tpu.memory_space<hbm>>
      tpu.enqueue_dma source(%dma_start3A_17 : memref<128x200xi32, #tpu.memory_space<hbm>>) target(%arg5 : memref<128x200xi32, #tpu.memory_space<vmem>>) target_semaphore(%run_scoped3A : memref<!tpu.dma_semaphore, #tpu.memory_space<semaphore_mem>>)
      %dma_wait3A = arith.constant 0 : i32
      %dma_wait3A_18 = tpu.memref_slice %arg3[%mul3A_2, %dma_wait3A] : memref<4096x200xi32, #tpu.memory_space<hbm>> -> memref<128x200xi32, #tpu.memory_space<hbm>>
      %dma_wait3A_19 = arith.constant 0 : i32
      %dma_wait3A_20 = tpu.memref_slice %arg3[%mul3A_2, %dma_wait3A_19] : memref<4096x200xi32, #tpu.memory_space<hbm>> -> memref<128x200xi32, #tpu.memory_space<hbm>>
      tpu.wait_dma2 semaphore(%run_scoped3A : memref<!tpu.dma_semaphore, #tpu.memory_space<semaphore_mem>>) src(%dma_wait3A_20 : memref<128x200xi32, #tpu.memory_space<hbm>>) dst(%arg5 : memref<128x200xi32, #tpu.memory_space<vmem>>)
      tpu.yield
    }) : () -> ()
    %dma_start3A = arith.constant 0 : i32
    %dma_start3A_3 = arith.constant 0 : i32
    %dma_start3A_4 = tpu.memref_slice %arg5[%dma_start3A, %dma_start3A_3] : memref<128x200xi32, #tpu.memory_space<vmem>> -> memref<1x200xi32, #tpu.memory_space<vmem>>
    %dma_start3A_5 = tpu.memref_squeeze %dma_start3A_4 : memref<1x200xi32, #tpu.memory_space<vmem>> -> memref<200xi32, #tpu.memory_space<vmem>>
    %dma_start3A_6 = arith.constant 0 : i32
    %dma_start3A_7 = arith.constant 0 : i32
    %dma_start3A_8 = tpu.memref_slice %arg2[%dma_start3A_6, %dma_start3A_7] : memref<1000000x64xf32, #tpu.memory_space<hbm>> -> memref<1000000x64xf32, #tpu.memory_space<hbm>>
    tpu.enqueue_indirect_dma source(%dma_start3A_8 : memref<1000000x64xf32, #tpu.memory_space<hbm>>) target(%arg6 : memref<200x64xf32, #tpu.memory_space<vmem>>) offsets(%dma_start3A_5 : memref<200xi32, #tpu.memory_space<vmem>>) semaphore(%arg8 : memref<!tpu.dma_semaphore, #tpu.memory_space<semaphore_mem>>)
    %scan3A = arith.constant 0 : i32
    %scan3A_9 = arith.constant 0 : i32
    %scan3A_10 = arith.constant 64 : i32
    %scan3A_11 = arith.addi %scan3A_9, %scan3A_10 : i32
    %scan3A_12 = arith.constant 1 : i32
    scf.for %scan3A_14 = %scan3A_9 to %scan3A_11 step %scan3A_12  : i32 {
      %mul3A_15 = arith.constant 2 : i32
      %mul3A_16 = arith.muli %scan3A_14, %mul3A_15 : i32
      %add3A_17 = arith.constant 1 : i32
      %add3A_18 = arith.addi %mul3A_16, %add3A_17 : i32
      %dma_start3A_19 = arith.constant 0 : i32
      %dma_start3A_20 = tpu.memref_slice %arg5[%add3A_18, %dma_start3A_19] : memref<128x200xi32, #tpu.memory_space<vmem>> -> memref<1x200xi32, #tpu.memory_space<vmem>>
      %dma_start3A_21 = tpu.memref_squeeze %dma_start3A_20 : memref<1x200xi32, #tpu.memory_space<vmem>> -> memref<200xi32, #tpu.memory_space<vmem>>
      %dma_start3A_22 = arith.constant 0 : i32
      %dma_start3A_23 = arith.constant 0 : i32
      %dma_start3A_24 = tpu.memref_slice %arg2[%dma_start3A_22, %dma_start3A_23] : memref<1000000x64xf32, #tpu.memory_space<hbm>> -> memref<1000000x64xf32, #tpu.memory_space<hbm>>
      tpu.enqueue_indirect_dma source(%dma_start3A_24 : memref<1000000x64xf32, #tpu.memory_space<hbm>>) target(%arg7 : memref<200x64xf32, #tpu.memory_space<vmem>>) offsets(%dma_start3A_21 : memref<200xi32, #tpu.memory_space<vmem>>) semaphore(%arg9 : memref<!tpu.dma_semaphore, #tpu.memory_space<semaphore_mem>>)
      %dma_wait3A = arith.constant 0 : i32
      %dma_wait3A_25 = tpu.memref_slice %arg5[%mul3A_16, %dma_wait3A] : memref<128x200xi32, #tpu.memory_space<vmem>> -> memref<1x200xi32, #tpu.memory_space<vmem>>
      %dma_wait3A_26 = tpu.memref_squeeze %dma_wait3A_25 : memref<1x200xi32, #tpu.memory_space<vmem>> -> memref<200xi32, #tpu.memory_space<vmem>>
      %dma_wait3A_27 = arith.constant 0 : i32
      %dma_wait3A_28 = arith.constant 0 : i32
      %dma_wait3A_29 = tpu.memref_slice %arg2[%dma_wait3A_27, %dma_wait3A_28] : memref<1000000x64xf32, #tpu.memory_space<hbm>> -> memref<1000000x64xf32, #tpu.memory_space<hbm>>
      tpu.wait_indirect_dma semaphore(%arg8 : memref<!tpu.dma_semaphore, #tpu.memory_space<semaphore_mem>>) src(%dma_wait3A_29 : memref<1000000x64xf32, #tpu.memory_space<hbm>>) dst(%arg6 : memref<200x64xf32, #tpu.memory_space<vmem>>)
      %scan3A_30 = arith.constant 0 : i32
      %scan3A_31 = arith.constant 0 : i32
      %scan3A_32 = arith.constant 50 : i32
      %scan3A_33 = arith.addi %scan3A_31, %scan3A_32 : i32
      %scan3A_34 = arith.constant 1 : i32
      scf.for %scan3A_56 = %scan3A_31 to %scan3A_33 step %scan3A_34  : i32 {
        %mul3A_57 = arith.constant 4 : i32
        %mul3A_58 = arith.muli %scan3A_56, %mul3A_57 : i32
        %add3A_59 = arith.constant 0 : i32
        %add3A_60 = arith.addi %mul3A_58, %add3A_59 : i32
        %get3A = arith.index_cast %add3A_60 : i32 to index
        %get3A_61 = arith.constant 0 : index
        %get3A_62 = tpu.vector_load %arg6[%get3A, %get3A_61] {strides = array<i32>} : memref<200x64xf32, #tpu.memory_space<vmem>>, vector<1x16xf32>,
        %get3A_63 = vector.shape_cast %get3A_62 : vector<1x16xf32> to vector<16xf32>
        %mul3A_64 = arith.constant 1.000000e+03 : f32
        %mul3A_65 = vector.broadcast %mul3A_64 : f32 to vector<16xf32>
        %mul3A_66 = arith.mulf %get3A_63, %mul3A_65 : vector<16xf32>
        %swap3A = arith.index_cast %add3A_60 : i32 to index
        %swap3A_67 = arith.constant 0 : index
        %swap3A_68 = tpu.vector_load %arg6[%swap3A, %swap3A_67] {strides = array<i32>} : memref<200x64xf32, #tpu.memory_space<vmem>>, vector<1x16xf32>,
        %swap3A_69 = vector.shape_cast %swap3A_68 : vector<1x16xf32> to vector<16xf32>
        %swap3A_70 = vector.shape_cast %mul3A_66 : vector<16xf32> to vector<1x16xf32>
        tpu.vector_store %arg6[%swap3A, %swap3A_67], %swap3A_70 {strides = array<i32>} : memref<200x64xf32, #tpu.memory_space<vmem>>, vector<1x16xf32>,
        %mul3A_71 = arith.constant 4 : i32
        %mul3A_72 = arith.muli %scan3A_56, %mul3A_71 : i32
        %add3A_73 = arith.constant 0 : i32
        %add3A_74 = arith.addi %mul3A_72, %add3A_73 : i32
        %get3A_75 = arith.index_cast %add3A_74 : i32 to index
        %get3A_76 = arith.constant 16 : index
        %get3A_77 = tpu.vector_load %arg6[%get3A_75, %get3A_76] {strides = array<i32>} : memref<200x64xf32, #tpu.memory_space<vmem>>, vector<1x16xf32>,
        %get3A_78 = vector.shape_cast %get3A_77 : vector<1x16xf32> to vector<16xf32>
        %mul3A_79 = arith.constant 1.000000e+03 : f32
        %mul3A_80 = vector.broadcast %mul3A_79 : f32 to vector<16xf32>
        %mul3A_81 = arith.mulf %get3A_78, %mul3A_80 : vector<16xf32>
        %swap3A_82 = arith.index_cast %add3A_74 : i32 to index
        %swap3A_83 = arith.constant 16 : index
        %swap3A_84 = tpu.vector_load %arg6[%swap3A_82, %swap3A_83] {strides = array<i32>} : memref<200x64xf32, #tpu.memory_space<vmem>>, vector<1x16xf32>,
        %swap3A_85 = vector.shape_cast %swap3A_84 : vector<1x16xf32> to vector<16xf32>
        %swap3A_86 = vector.shape_cast %mul3A_81 : vector<16xf32> to vector<1x16xf32>
        tpu.vector_store %arg6[%swap3A_82, %swap3A_83], %swap3A_86 {strides = array<i32>} : memref<200x64xf32, #tpu.memory_space<vmem>>, vector<1x16xf32>,
        %mul3A_87 = arith.constant 4 : i32
        %mul3A_88 = arith.muli %scan3A_56, %mul3A_87 : i32
        %add3A_89 = arith.constant 0 : i32
        %add3A_90 = arith.addi %mul3A_88, %add3A_89 : i32
        %get3A_91 = arith.index_cast %add3A_90 : i32 to index
        %get3A_92 = arith.constant 32 : index
        %get3A_93 = tpu.vector_load %arg6[%get3A_91, %get3A_92] {strides = array<i32>} : memref<200x64xf32, #tpu.memory_space<vmem>>, vector<1x16xf32>,
        %get3A_94 = vector.shape_cast %get3A_93 : vector<1x16xf32> to vector<16xf32>
        %mul3A_95 = arith.constant 1.000000e+03 : f32
        %mul3A_96 = vector.broadcast %mul3A_95 : f32 to vector<16xf32>
        %mul3A_97 = arith.mulf %get3A_94, %mul3A_96 : vector<16xf32>
        %swap3A_98 = arith.index_cast %add3A_90 : i32 to index
        %swap3A_99 = arith.constant 32 : index
        %swap3A_100 = tpu.vector_load %arg6[%swap3A_98, %swap3A_99] {strides = array<i32>} : memref<200x64xf32, #tpu.memory_space<vmem>>, vector<1x16xf32>,
        %swap3A_101 = vector.shape_cast %swap3A_100 : vector<1x16xf32> to vector<16xf32>
        %swap3A_102 = vector.shape_cast %mul3A_97 : vector<16xf32> to vector<1x16xf32>
        tpu.vector_store %arg6[%swap3A_98, %swap3A_99], %swap3A_102 {strides = array<i32>} : memref<200x64xf32, #tpu.memory_space<vmem>>, vector<1x16xf32>,
        %mul3A_103 = arith.constant 4 : i32
        %mul3A_104 = arith.muli %scan3A_56, %mul3A_103 : i32
        %add3A_105 = arith.constant 0 : i32
        %add3A_106 = arith.addi %mul3A_104, %add3A_105 : i32
        %get3A_107 = arith.index_cast %add3A_106 : i32 to index
        %get3A_108 = arith.constant 48 : index
        %get3A_109 = tpu.vector_load %arg6[%get3A_107, %get3A_108] {strides = array<i32>} : memref<200x64xf32, #tpu.memory_space<vmem>>, vector<1x16xf32>,
        %get3A_110 = vector.shape_cast %get3A_109 : vector<1x16xf32> to vector<16xf32>
        %mul3A_111 = arith.constant 1.000000e+03 : f32
        %mul3A_112 = vector.broadcast %mul3A_111 : f32 to vector<16xf32>
        %mul3A_113 = arith.mulf %get3A_110, %mul3A_112 : vector<16xf32>
        %swap3A_114 = arith.index_cast %add3A_106 : i32 to index
        %swap3A_115 = arith.constant 48 : index
        %swap3A_116 = tpu.vector_load %arg6[%swap3A_114, %swap3A_115] {strides = array<i32>} : memref<200x64xf32, #tpu.memory_space<vmem>>, vector<1x16xf32>,
        %swap3A_117 = vector.shape_cast %swap3A_116 : vector<1x16xf32> to vector<16xf32>
        %swap3A_118 = vector.shape_cast %mul3A_113 : vector<16xf32> to vector<1x16xf32>
        tpu.vector_store %arg6[%swap3A_114, %swap3A_115], %swap3A_118 {strides = array<i32>} : memref<200x64xf32, #tpu.memory_space<vmem>>, vector<1x16xf32>,
        %mul3A_119 = arith.constant 4 : i32
        %mul3A_120 = arith.muli %scan3A_56, %mul3A_119 : i32
        %add3A_121 = arith.constant 1 : i32
        %add3A_122 = arith.addi %mul3A_120, %add3A_121 : i32
        %get3A_123 = arith.index_cast %add3A_122 : i32 to index
        %get3A_124 = arith.constant 0 : index
        %get3A_125 = tpu.vector_load %arg6[%get3A_123, %get3A_124] {strides = array<i32>} : memref<200x64xf32, #tpu.memory_space<vmem>>, vector<1x16xf32>,
        %get3A_126 = vector.shape_cast %get3A_125 : vector<1x16xf32> to vector<16xf32>
        %mul3A_127 = arith.constant 1.000000e+03 : f32
        %mul3A_128 = vector.broadcast %mul3A_127 : f32 to vector<16xf32>
        %mul3A_129 = arith.mulf %get3A_126, %mul3A_128 : vector<16xf32>
        %swap3A_130 = arith.index_cast %add3A_122 : i32 to index
        %swap3A_131 = arith.constant 0 : index
        %swap3A_132 = tpu.vector_load %arg6[%swap3A_130, %swap3A_131] {strides = array<i32>} : memref<200x64xf32, #tpu.memory_space<vmem>>, vector<1x16xf32>,
        %swap3A_133 = vector.shape_cast %swap3A_132 : vector<1x16xf32> to vector<16xf32>
        %swap3A_134 = vector.shape_cast %mul3A_129 : vector<16xf32> to vector<1x16xf32>
        tpu.vector_store %arg6[%swap3A_130, %swap3A_131], %swap3A_134 {strides = array<i32>} : memref<200x64xf32, #tpu.memory_space<vmem>>, vector<1x16xf32>,
        %mul3A_135 = arith.constant 4 : i32
        %mul3A_136 = arith.muli %scan3A_56, %mul3A_135 : i32
        %add3A_137 = arith.constant 1 : i32
        %add3A_138 = arith.addi %mul3A_136, %add3A_137 : i32
        %get3A_139 = arith.index_cast %add3A_138 : i32 to index
        %get3A_140 = arith.constant 16 : index
        %get3A_141 = tpu.vector_load %arg6[%get3A_139, %get3A_140] {strides = array<i32>} : memref<200x64xf32, #tpu.memory_space<vmem>>, vector<1x16xf32>,
        %get3A_142 = vector.shape_cast %get3A_141 : vector<1x16xf32> to vector<16xf32>
        %mul3A_143 = arith.constant 1.000000e+03 : f32
        %mul3A_144 = vector.broadcast %mul3A_143 : f32 to vector<16xf32>
        %mul3A_145 = arith.mulf %get3A_142, %mul3A_144 : vector<16xf32>
        %swap3A_146 = arith.index_cast %add3A_138 : i32 to index
        %swap3A_147 = arith.constant 16 : index
        %swap3A_148 = tpu.vector_load %arg6[%swap3A_146, %swap3A_147] {strides = array<i32>} : memref<200x64xf32, #tpu.memory_space<vmem>>, vector<1x16xf32>,
        %swap3A_149 = vector.shape_cast %swap3A_148 : vector<1x16xf32> to vector<16xf32>
        %swap3A_150 = vector.shape_cast %mul3A_145 : vector<16xf32> to vector<1x16xf32>
        tpu.vector_store %arg6[%swap3A_146, %swap3A_147], %swap3A_150 {strides = array<i32>} : memref<200x64xf32, #tpu.memory_space<vmem>>, vector<1x16xf32>,
        %mul3A_151 = arith.constant 4 : i32
        %mul3A_152 = arith.muli %scan3A_56, %mul3A_151 : i32
        %add3A_153 = arith.constant 1 : i32
        %add3A_154 = arith.addi %mul3A_152, %add3A_153 : i32
        %get3A_155 = arith.index_cast %add3A_154 : i32 to index
        %get3A_156 = arith.constant 32 : index
        %get3A_157 = tpu.vector_load %arg6[%get3A_155, %get3A_156] {strides = array<i32>} : memref<200x64xf32, #tpu.memory_space<vmem>>, vector<1x16xf32>,
        %get3A_158 = vector.shape_cast %get3A_157 : vector<1x16xf32> to vector<16xf32>
        %mul3A_159 = arith.constant 1.000000e+03 : f32
        %mul3A_160 = vector.broadcast %mul3A_159 : f32 to vector<16xf32>
        %mul3A_161 = arith.mulf %get3A_158, %mul3A_160 : vector<16xf32>
        %swap3A_162 = arith.index_cast %add3A_154 : i32 to index
        %swap3A_163 = arith.constant 32 : index
        %swap3A_164 = tpu.vector_load %arg6[%swap3A_162, %swap3A_163] {strides = array<i32>} : memref<200x64xf32, #tpu.memory_space<vmem>>, vector<1x16xf32>,
        %swap3A_165 = vector.shape_cast %swap3A_164 : vector<1x16xf32> to vector<16xf32>
        %swap3A_166 = vector.shape_cast %mul3A_161 : vector<16xf32> to vector<1x16xf32>
        tpu.vector_store %arg6[%swap3A_162, %swap3A_163], %swap3A_166 {strides = array<i32>} : memref<200x64xf32, #tpu.memory_space<vmem>>, vector<1x16xf32>,
        %mul3A_167 = arith.constant 4 : i32
        %mul3A_168 = arith.muli %scan3A_56, %mul3A_167 : i32
        %add3A_169 = arith.constant 1 : i32
        %add3A_170 = arith.addi %mul3A_168, %add3A_169 : i32
        %get3A_171 = arith.index_cast %add3A_170 : i32 to index
        %get3A_172 = arith.constant 48 : index
        %get3A_173 = tpu.vector_load %arg6[%get3A_171, %get3A_172] {strides = array<i32>} : memref<200x64xf32, #tpu.memory_space<vmem>>, vector<1x16xf32>,
        %get3A_174 = vector.shape_cast %get3A_173 : vector<1x16xf32> to vector<16xf32>
        %mul3A_175 = arith.constant 1.000000e+03 : f32
        %mul3A_176 = vector.broadcast %mul3A_175 : f32 to vector<16xf32>
        %mul3A_177 = arith.mulf %get3A_174, %mul3A_176 : vector<16xf32>
        %swap3A_178 = arith.index_cast %add3A_170 : i32 to index
        %swap3A_179 = arith.constant 48 : index
        %swap3A_180 = tpu.vector_load %arg6[%swap3A_178, %swap3A_179] {strides = array<i32>} : memref<200x64xf32, #tpu.memory_space<vmem>>, vector<1x16xf32>,
        %swap3A_181 = vector.shape_cast %swap3A_180 : vector<1x16xf32> to vector<16xf32>
        %swap3A_182 = vector.shape_cast %mul3A_177 : vector<16xf32> to vector<1x16xf32>
        tpu.vector_store %arg6[%swap3A_178, %swap3A_179], %swap3A_182 {strides = array<i32>} : memref<200x64xf32, #tpu.memory_space<vmem>>, vector<1x16xf32>,
        %mul3A_183 = arith.constant 4 : i32
        %mul3A_184 = arith.muli %scan3A_56, %mul3A_183 : i32
        %add3A_185 = arith.constant 2 : i32
        %add3A_186 = arith.addi %mul3A_184, %add3A_185 : i32
        %get3A_187 = arith.index_cast %add3A_186 : i32 to index
        %get3A_188 = arith.constant 0 : index
        %get3A_189 = tpu.vector_load %arg6[%get3A_187, %get3A_188] {strides = array<i32>} : memref<200x64xf32, #tpu.memory_space<vmem>>, vector<1x16xf32>,
        %get3A_190 = vector.shape_cast %get3A_189 : vector<1x16xf32> to vector<16xf32>
        %mul3A_191 = arith.constant 1.000000e+03 : f32
        %mul3A_192 = vector.broadcast %mul3A_191 : f32 to vector<16xf32>
        %mul3A_193 = arith.mulf %get3A_190, %mul3A_192 : vector<16xf32>
        %swap3A_194 = arith.index_cast %add3A_186 : i32 to index
        %swap3A_195 = arith.constant 0 : index
        %swap3A_196 = tpu.vector_load %arg6[%swap3A_194, %swap3A_195] {strides = array<i32>} : memref<200x64xf32, #tpu.memory_space<vmem>>, vector<1x16xf32>,
        %swap3A_197 = vector.shape_cast %swap3A_196 : vector<1x16xf32> to vector<16xf32>
        %swap3A_198 = vector.shape_cast %mul3A_193 : vector<16xf32> to vector<1x16xf32>
        tpu.vector_store %arg6[%swap3A_194, %swap3A_195], %swap3A_198 {strides = array<i32>} : memref<200x64xf32, #tpu.memory_space<vmem>>, vector<1x16xf32>,
        %mul3A_199 = arith.constant 4 : i32
        %mul3A_200 = arith.muli %scan3A_56, %mul3A_199 : i32
        %add3A_201 = arith.constant 2 : i32
        %add3A_202 = arith.addi %mul3A_200, %add3A_201 : i32
        %get3A_203 = arith.index_cast %add3A_202 : i32 to index
        %get3A_204 = arith.constant 16 : index
        %get3A_205 = tpu.vector_load %arg6[%get3A_203, %get3A_204] {strides = array<i32>} : memref<200x64xf32, #tpu.memory_space<vmem>>, vector<1x16xf32>,
        %get3A_206 = vector.shape_cast %get3A_205 : vector<1x16xf32> to vector<16xf32>
        %mul3A_207 = arith.constant 1.000000e+03 : f32
        %mul3A_208 = vector.broadcast %mul3A_207 : f32 to vector<16xf32>
        %mul3A_209 = arith.mulf %get3A_206, %mul3A_208 : vector<16xf32>
        %swap3A_210 = arith.index_cast %add3A_202 : i32 to index
        %swap3A_211 = arith.constant 16 : index
        %swap3A_212 = tpu.vector_load %arg6[%swap3A_210, %swap3A_211] {strides = array<i32>} : memref<200x64xf32, #tpu.memory_space<vmem>>, vector<1x16xf32>,
        %swap3A_213 = vector.shape_cast %swap3A_212 : vector<1x16xf32> to vector<16xf32>
        %swap3A_214 = vector.shape_cast %mul3A_209 : vector<16xf32> to vector<1x16xf32>
        tpu.vector_store %arg6[%swap3A_210, %swap3A_211], %swap3A_214 {strides = array<i32>} : memref<200x64xf32, #tpu.memory_space<vmem>>, vector<1x16xf32>,
        %mul3A_215 = arith.constant 4 : i32
        %mul3A_216 = arith.muli %scan3A_56, %mul3A_215 : i32
        %add3A_217 = arith.constant 2 : i32
        %add3A_218 = arith.addi %mul3A_216, %add3A_217 : i32
        %get3A_219 = arith.index_cast %add3A_218 : i32 to index
        %get3A_220 = arith.constant 32 : index
        %get3A_221 = tpu.vector_load %arg6[%get3A_219, %get3A_220] {strides = array<i32>} : memref<200x64xf32, #tpu.memory_space<vmem>>, vector<1x16xf32>,
        %get3A_222 = vector.shape_cast %get3A_221 : vector<1x16xf32> to vector<16xf32>
        %mul3A_223 = arith.constant 1.000000e+03 : f32
        %mul3A_224 = vector.broadcast %mul3A_223 : f32 to vector<16xf32>
        %mul3A_225 = arith.mulf %get3A_222, %mul3A_224 : vector<16xf32>
        %swap3A_226 = arith.index_cast %add3A_218 : i32 to index
        %swap3A_227 = arith.constant 32 : index
        %swap3A_228 = tpu.vector_load %arg6[%swap3A_226, %swap3A_227] {strides = array<i32>} : memref<200x64xf32, #tpu.memory_space<vmem>>, vector<1x16xf32>,
        %swap3A_229 = vector.shape_cast %swap3A_228 : vector<1x16xf32> to vector<16xf32>
        %swap3A_230 = vector.shape_cast %mul3A_225 : vector<16xf32> to vector<1x16xf32>
        tpu.vector_store %arg6[%swap3A_226, %swap3A_227], %swap3A_230 {strides = array<i32>} : memref<200x64xf32, #tpu.memory_space<vmem>>, vector<1x16xf32>,
        %mul3A_231 = arith.constant 4 : i32
        %mul3A_232 = arith.muli %scan3A_56, %mul3A_231 : i32
        %add3A_233 = arith.constant 2 : i32
        %add3A_234 = arith.addi %mul3A_232, %add3A_233 : i32
        %get3A_235 = arith.index_cast %add3A_234 : i32 to index
        %get3A_236 = arith.constant 48 : index
        %get3A_237 = tpu.vector_load %arg6[%get3A_235, %get3A_236] {strides = array<i32>} : memref<200x64xf32, #tpu.memory_space<vmem>>, vector<1x16xf32>,
        %get3A_238 = vector.shape_cast %get3A_237 : vector<1x16xf32> to vector<16xf32>
        %mul3A_239 = arith.constant 1.000000e+03 : f32
        %mul3A_240 = vector.broadcast %mul3A_239 : f32 to vector<16xf32>
        %mul3A_241 = arith.mulf %get3A_238, %mul3A_240 : vector<16xf32>
        %swap3A_242 = arith.index_cast %add3A_234 : i32 to index
        %swap3A_243 = arith.constant 48 : index
        %swap3A_244 = tpu.vector_load %arg6[%swap3A_242, %swap3A_243] {strides = array<i32>} : memref<200x64xf32, #tpu.memory_space<vmem>>, vector<1x16xf32>,
        %swap3A_245 = vector.shape_cast %swap3A_244 : vector<1x16xf32> to vector<16xf32>
        %swap3A_246 = vector.shape_cast %mul3A_241 : vector<16xf32> to vector<1x16xf32>
        tpu.vector_store %arg6[%swap3A_242, %swap3A_243], %swap3A_246 {strides = array<i32>} : memref<200x64xf32, #tpu.memory_space<vmem>>, vector<1x16xf32>,
        %mul3A_247 = arith.constant 4 : i32
        %mul3A_248 = arith.muli %scan3A_56, %mul3A_247 : i32
        %add3A_249 = arith.constant 3 : i32
        %add3A_250 = arith.addi %mul3A_248, %add3A_249 : i32
        %get3A_251 = arith.index_cast %add3A_250 : i32 to index
        %get3A_252 = arith.constant 0 : index
        %get3A_253 = tpu.vector_load %arg6[%get3A_251, %get3A_252] {strides = array<i32>} : memref<200x64xf32, #tpu.memory_space<vmem>>, vector<1x16xf32>,
        %get3A_254 = vector.shape_cast %get3A_253 : vector<1x16xf32> to vector<16xf32>
        %mul3A_255 = arith.constant 1.000000e+03 : f32
        %mul3A_256 = vector.broadcast %mul3A_255 : f32 to vector<16xf32>
        %mul3A_257 = arith.mulf %get3A_254, %mul3A_256 : vector<16xf32>
        %swap3A_258 = arith.index_cast %add3A_250 : i32 to index
        %swap3A_259 = arith.constant 0 : index
        %swap3A_260 = tpu.vector_load %arg6[%swap3A_258, %swap3A_259] {strides = array<i32>} : memref<200x64xf32, #tpu.memory_space<vmem>>, vector<1x16xf32>,
        %swap3A_261 = vector.shape_cast %swap3A_260 : vector<1x16xf32> to vector<16xf32>
        %swap3A_262 = vector.shape_cast %mul3A_257 : vector<16xf32> to vector<1x16xf32>
        tpu.vector_store %arg6[%swap3A_258, %swap3A_259], %swap3A_262 {strides = array<i32>} : memref<200x64xf32, #tpu.memory_space<vmem>>, vector<1x16xf32>,
        %mul3A_263 = arith.constant 4 : i32
        %mul3A_264 = arith.muli %scan3A_56, %mul3A_263 : i32
        %add3A_265 = arith.constant 3 : i32
        %add3A_266 = arith.addi %mul3A_264, %add3A_265 : i32
        %get3A_267 = arith.index_cast %add3A_266 : i32 to index
        %get3A_268 = arith.constant 16 : index
        %get3A_269 = tpu.vector_load %arg6[%get3A_267, %get3A_268] {strides = array<i32>} : memref<200x64xf32, #tpu.memory_space<vmem>>, vector<1x16xf32>,
        %get3A_270 = vector.shape_cast %get3A_269 : vector<1x16xf32> to vector<16xf32>
        %mul3A_271 = arith.constant 1.000000e+03 : f32
        %mul3A_272 = vector.broadcast %mul3A_271 : f32 to vector<16xf32>
        %mul3A_273 = arith.mulf %get3A_270, %mul3A_272 : vector<16xf32>
        %swap3A_274 = arith.index_cast %add3A_266 : i32 to index
        %swap3A_275 = arith.constant 16 : index
        %swap3A_276 = tpu.vector_load %arg6[%swap3A_274, %swap3A_275] {strides = array<i32>} : memref<200x64xf32, #tpu.memory_space<vmem>>, vector<1x16xf32>,
        %swap3A_277 = vector.shape_cast %swap3A_276 : vector<1x16xf32> to vector<16xf32>
        %swap3A_278 = vector.shape_cast %mul3A_273 : vector<16xf32> to vector<1x16xf32>
        tpu.vector_store %arg6[%swap3A_274, %swap3A_275], %swap3A_278 {strides = array<i32>} : memref<200x64xf32, #tpu.memory_space<vmem>>, vector<1x16xf32>,
        %mul3A_279 = arith.constant 4 : i32
        %mul3A_280 = arith.muli %scan3A_56, %mul3A_279 : i32
        %add3A_281 = arith.constant 3 : i32
        %add3A_282 = arith.addi %mul3A_280, %add3A_281 : i32
        %get3A_283 = arith.index_cast %add3A_282 : i32 to index
        %get3A_284 = arith.constant 32 : index
        %get3A_285 = tpu.vector_load %arg6[%get3A_283, %get3A_284] {strides = array<i32>} : memref<200x64xf32, #tpu.memory_space<vmem>>, vector<1x16xf32>,
        %get3A_286 = vector.shape_cast %get3A_285 : vector<1x16xf32> to vector<16xf32>
        %mul3A_287 = arith.constant 1.000000e+03 : f32
        %mul3A_288 = vector.broadcast %mul3A_287 : f32 to vector<16xf32>
        %mul3A_289 = arith.mulf %get3A_286, %mul3A_288 : vector<16xf32>
        %swap3A_290 = arith.index_cast %add3A_282 : i32 to index
        %swap3A_291 = arith.constant 32 : index
        %swap3A_292 = tpu.vector_load %arg6[%swap3A_290, %swap3A_291] {strides = array<i32>} : memref<200x64xf32, #tpu.memory_space<vmem>>, vector<1x16xf32>,
        %swap3A_293 = vector.shape_cast %swap3A_292 : vector<1x16xf32> to vector<16xf32>
        %swap3A_294 = vector.shape_cast %mul3A_289 : vector<16xf32> to vector<1x16xf32>
        tpu.vector_store %arg6[%swap3A_290, %swap3A_291], %swap3A_294 {strides = array<i32>} : memref<200x64xf32, #tpu.memory_space<vmem>>, vector<1x16xf32>,
        %mul3A_295 = arith.constant 4 : i32
        %mul3A_296 = arith.muli %scan3A_56, %mul3A_295 : i32
        %add3A_297 = arith.constant 3 : i32
        %add3A_298 = arith.addi %mul3A_296, %add3A_297 : i32
        %get3A_299 = arith.index_cast %add3A_298 : i32 to index
        %get3A_300 = arith.constant 48 : index
        %get3A_301 = tpu.vector_load %arg6[%get3A_299, %get3A_300] {strides = array<i32>} : memref<200x64xf32, #tpu.memory_space<vmem>>, vector<1x16xf32>,
        %get3A_302 = vector.shape_cast %get3A_301 : vector<1x16xf32> to vector<16xf32>
        %mul3A_303 = arith.constant 1.000000e+03 : f32
        %mul3A_304 = vector.broadcast %mul3A_303 : f32 to vector<16xf32>
        %mul3A_305 = arith.mulf %get3A_302, %mul3A_304 : vector<16xf32>
        %swap3A_306 = arith.index_cast %add3A_298 : i32 to index
        %swap3A_307 = arith.constant 48 : index
        %swap3A_308 = tpu.vector_load %arg6[%swap3A_306, %swap3A_307] {strides = array<i32>} : memref<200x64xf32, #tpu.memory_space<vmem>>, vector<1x16xf32>,
        %swap3A_309 = vector.shape_cast %swap3A_308 : vector<1x16xf32> to vector<16xf32>
        %swap3A_310 = vector.shape_cast %mul3A_305 : vector<16xf32> to vector<1x16xf32>
        tpu.vector_store %arg6[%swap3A_306, %swap3A_307], %swap3A_310 {strides = array<i32>} : memref<200x64xf32, #tpu.memory_space<vmem>>, vector<1x16xf32>,
      }
      %scan3A_35 = arith.constant 50 : i32
      %add3A_36 = arith.addi %mul3A_2, %mul3A_16 : i32
      "tpu.region"() ({
        %run_scoped3A = tpu.sem_alloc : memref<!tpu.dma_semaphore, #tpu.memory_space<semaphore_mem>>
        %dma_start3A_56 = arith.constant 0 : i32
        %dma_start3A_57 = arith.constant 0 : i32
        %dma_start3A_58 = tpu.memref_slice %arg4[%add3A_36, %dma_start3A_56, %dma_start3A_57] : memref<4096x200x128xf32, #tpu.memory_space<hbm>> -> memref<1x200x128xf32, #tpu.memory_space<hbm>>
        %dma_start3A_59 = tpu.memref_squeeze %dma_start3A_58 : memref<1x200x128xf32, #tpu.memory_space<hbm>> -> memref<200x128xf32, #tpu.memory_space<hbm>>
        %dma_start3A_60 = arith.constant 0 : i32
        %dma_start3A_61 = arith.constant 0 : i32
        %dma_start3A_62 = tpu.memref_slice %dma_start3A_59[%dma_start3A_60, %dma_start3A_61] : memref<200x128xf32, #tpu.memory_space<hbm>> -> memref<200x64xf32, #tpu.memory_space<hbm>>
        %dma_start3A_63 = arith.constant 0 : i32
        %dma_start3A_64 = arith.constant 0 : i32
        %dma_start3A_65 = tpu.memref_slice %arg4[%add3A_36, %dma_start3A_63, %dma_start3A_64] : memref<4096x200x128xf32, #tpu.memory_space<hbm>> -> memref<1x200x128xf32, #tpu.memory_space<hbm>>
        %dma_start3A_66 = tpu.memref_squeeze %dma_start3A_65 : memref<1x200x128xf32, #tpu.memory_space<hbm>> -> memref<200x128xf32, #tpu.memory_space<hbm>>
        %dma_start3A_67 = arith.constant 0 : i32
        %dma_start3A_68 = arith.constant 0 : i32
        %dma_start3A_69 = tpu.memref_slice %dma_start3A_66[%dma_start3A_67, %dma_start3A_68] : memref<200x128xf32, #tpu.memory_space<hbm>> -> memref<200x64xf32, #tpu.memory_space<hbm>>
        tpu.enqueue_dma source(%arg6 : memref<200x64xf32, #tpu.memory_space<vmem>>) target(%dma_start3A_69 : memref<200x64xf32, #tpu.memory_space<hbm>>) target_semaphore(%run_scoped3A : memref<!tpu.dma_semaphore, #tpu.memory_space<semaphore_mem>>)
        %dma_wait3A_70 = arith.constant 0 : i32
        %dma_wait3A_71 = arith.constant 0 : i32
        %dma_wait3A_72 = tpu.memref_slice %arg4[%add3A_36, %dma_wait3A_70, %dma_wait3A_71] : memref<4096x200x128xf32, #tpu.memory_space<hbm>> -> memref<1x200x128xf32, #tpu.memory_space<hbm>>
        %dma_wait3A_73 = tpu.memref_squeeze %dma_wait3A_72 : memref<1x200x128xf32, #tpu.memory_space<hbm>> -> memref<200x128xf32, #tpu.memory_space<hbm>>
        %dma_wait3A_74 = arith.constant 0 : i32
        %dma_wait3A_75 = arith.constant 0 : i32
        %dma_wait3A_76 = tpu.memref_slice %dma_wait3A_73[%dma_wait3A_74, %dma_wait3A_75] : memref<200x128xf32, #tpu.memory_space<hbm>> -> memref<200x64xf32, #tpu.memory_space<hbm>>
        %dma_wait3A_77 = arith.constant 0 : i32
        %dma_wait3A_78 = arith.constant 0 : i32
        %dma_wait3A_79 = tpu.memref_slice %arg4[%add3A_36, %dma_wait3A_77, %dma_wait3A_78] : memref<4096x200x128xf32, #tpu.memory_space<hbm>> -> memref<1x200x128xf32, #tpu.memory_space<hbm>>
        %dma_wait3A_80 = tpu.memref_squeeze %dma_wait3A_79 : memref<1x200x128xf32, #tpu.memory_space<hbm>> -> memref<200x128xf32, #tpu.memory_space<hbm>>
        %dma_wait3A_81 = arith.constant 0 : i32
        %dma_wait3A_82 = arith.constant 0 : i32
        %dma_wait3A_83 = tpu.memref_slice %dma_wait3A_80[%dma_wait3A_81, %dma_wait3A_82] : memref<200x128xf32, #tpu.memory_space<hbm>> -> memref<200x64xf32, #tpu.memory_space<hbm>>
        tpu.wait_dma2 semaphore(%run_scoped3A : memref<!tpu.dma_semaphore, #tpu.memory_space<semaphore_mem>>) src(%arg6 : memref<200x64xf32, #tpu.memory_space<vmem>>) dst(%dma_wait3A_83 : memref<200x64xf32, #tpu.memory_space<hbm>>)
        tpu.yield
      }) : () -> ()
      %add3A_37 = arith.constant 2 : i32
      %add3A_38 = arith.addi %mul3A_16, %add3A_37 : i32
      %lt3A = arith.constant 128 : i32
      %lt3A_39 = arith.cmpi slt, %add3A_38, %lt3A : i32
      %convert_element_type3A = arith.extui %lt3A_39 : i1 to i32
      %cond3A = arith.constant 0 : i32
      %cond3A_40 = arith.cmpi ne, %convert_element_type3A, %cond3A : i32
      scf.if %cond3A_40 {
        %add3A_56 = arith.constant 2 : i32
        %add3A_57 = arith.addi %mul3A_16, %add3A_56 : i32
        %dma_start3A_58 = arith.constant 0 : i32
        %dma_start3A_59 = tpu.memref_slice %arg5[%add3A_57, %dma_start3A_58] : memref<128x200xi32, #tpu.memory_space<vmem>> -> memref<1x200xi32, #tpu.memory_space<vmem>>
        %dma_start3A_60 = tpu.memref_squeeze %dma_start3A_59 : memref<1x200xi32, #tpu.memory_space<vmem>> -> memref<200xi32, #tpu.memory_space<vmem>>
        %dma_start3A_61 = arith.constant 0 : i32
        %dma_start3A_62 = arith.constant 0 : i32
        %dma_start3A_63 = tpu.memref_slice %arg2[%dma_start3A_61, %dma_start3A_62] : memref<1000000x64xf32, #tpu.memory_space<hbm>> -> memref<1000000x64xf32, #tpu.memory_space<hbm>>
        tpu.enqueue_indirect_dma source(%dma_start3A_63 : memref<1000000x64xf32, #tpu.memory_space<hbm>>) target(%arg6 : memref<200x64xf32, #tpu.memory_space<vmem>>) offsets(%dma_start3A_60 : memref<200xi32, #tpu.memory_space<vmem>>) semaphore(%arg8 : memref<!tpu.dma_semaphore, #tpu.memory_space<semaphore_mem>>)
      } else {
      }
      %add3A_41 = arith.constant 1 : i32
      %add3A_42 = arith.addi %mul3A_16, %add3A_41 : i32
      %dma_wait3A_43 = arith.constant 0 : i32
      %dma_wait3A_44 = tpu.memref_slice %arg5[%add3A_42, %dma_wait3A_43] : memref<128x200xi32, #tpu.memory_space<vmem>> -> memref<1x200xi32, #tpu.memory_space<vmem>>
      %dma_wait3A_45 = tpu.memref_squeeze %dma_wait3A_44 : memref<1x200xi32, #tpu.memory_space<vmem>> -> memref<200xi32, #tpu.memory_space<vmem>>
      %dma_wait3A_46 = arith.constant 0 : i32
      %dma_wait3A_47 = arith.constant 0 : i32
      %dma_wait3A_48 = tpu.memref_slice %arg2[%dma_wait3A_46, %dma_wait3A_47] : memref<1000000x64xf32, #tpu.memory_space<hbm>> -> memref<1000000x64xf32, #tpu.memory_space<hbm>>
      tpu.wait_indirect_dma semaphore(%arg9 : memref<!tpu.dma_semaphore, #tpu.memory_space<semaphore_mem>>) src(%dma_wait3A_48 : memref<1000000x64xf32, #tpu.memory_space<hbm>>) dst(%arg7 : memref<200x64xf32, #tpu.memory_space<vmem>>)
      %scan3A_49 = arith.constant 0 : i32
      %scan3A_50 = arith.constant 0 : i32
      %scan3A_51 = arith.constant 50 : i32
      %scan3A_52 = arith.addi %scan3A_50, %scan3A_51 : i32
      %scan3A_53 = arith.constant 1 : i32
      scf.for %scan3A_56 = %scan3A_50 to %scan3A_52 step %scan3A_53  : i32 {
        %mul3A_57 = arith.constant 4 : i32
        %mul3A_58 = arith.muli %scan3A_56, %mul3A_57 : i32
        %add3A_59 = arith.constant 0 : i32
        %add3A_60 = arith.addi %mul3A_58, %add3A_59 : i32
        %get3A = arith.index_cast %add3A_60 : i32 to index
        %get3A_61 = arith.constant 0 : index
        %get3A_62 = tpu.vector_load %arg7[%get3A, %get3A_61] {strides = array<i32>} : memref<200x64xf32, #tpu.memory_space<vmem>>, vector<1x16xf32>,
        %get3A_63 = vector.shape_cast %get3A_62 : vector<1x16xf32> to vector<16xf32>
        %mul3A_64 = arith.constant 1.000000e+03 : f32
        %mul3A_65 = vector.broadcast %mul3A_64 : f32 to vector<16xf32>
        %mul3A_66 = arith.mulf %get3A_63, %mul3A_65 : vector<16xf32>
        %swap3A = arith.index_cast %add3A_60 : i32 to index
        %swap3A_67 = arith.constant 0 : index
        %swap3A_68 = tpu.vector_load %arg7[%swap3A, %swap3A_67] {strides = array<i32>} : memref<200x64xf32, #tpu.memory_space<vmem>>, vector<1x16xf32>,
        %swap3A_69 = vector.shape_cast %swap3A_68 : vector<1x16xf32> to vector<16xf32>
        %swap3A_70 = vector.shape_cast %mul3A_66 : vector<16xf32> to vector<1x16xf32>
        tpu.vector_store %arg7[%swap3A, %swap3A_67], %swap3A_70 {strides = array<i32>} : memref<200x64xf32, #tpu.memory_space<vmem>>, vector<1x16xf32>,
        %mul3A_71 = arith.constant 4 : i32
        %mul3A_72 = arith.muli %scan3A_56, %mul3A_71 : i32
        %add3A_73 = arith.constant 0 : i32
        %add3A_74 = arith.addi %mul3A_72, %add3A_73 : i32
        %get3A_75 = arith.index_cast %add3A_74 : i32 to index
        %get3A_76 = arith.constant 16 : index
        %get3A_77 = tpu.vector_load %arg7[%get3A_75, %get3A_76] {strides = array<i32>} : memref<200x64xf32, #tpu.memory_space<vmem>>, vector<1x16xf32>,
        %get3A_78 = vector.shape_cast %get3A_77 : vector<1x16xf32> to vector<16xf32>
        %mul3A_79 = arith.constant 1.000000e+03 : f32
        %mul3A_80 = vector.broadcast %mul3A_79 : f32 to vector<16xf32>
        %mul3A_81 = arith.mulf %get3A_78, %mul3A_80 : vector<16xf32>
        %swap3A_82 = arith.index_cast %add3A_74 : i32 to index
        %swap3A_83 = arith.constant 16 : index
        %swap3A_84 = tpu.vector_load %arg7[%swap3A_82, %swap3A_83] {strides = array<i32>} : memref<200x64xf32, #tpu.memory_space<vmem>>, vector<1x16xf32>,
        %swap3A_85 = vector.shape_cast %swap3A_84 : vector<1x16xf32> to vector<16xf32>
        %swap3A_86 = vector.shape_cast %mul3A_81 : vector<16xf32> to vector<1x16xf32>
        tpu.vector_store %arg7[%swap3A_82, %swap3A_83], %swap3A_86 {strides = array<i32>} : memref<200x64xf32, #tpu.memory_space<vmem>>, vector<1x16xf32>,
        %mul3A_87 = arith.constant 4 : i32
        %mul3A_88 = arith.muli %scan3A_56, %mul3A_87 : i32
        %add3A_89 = arith.constant 0 : i32
        %add3A_90 = arith.addi %mul3A_88, %add3A_89 : i32
        %get3A_91 = arith.index_cast %add3A_90 : i32 to index
        %get3A_92 = arith.constant 32 : index
        %get3A_93 = tpu.vector_load %arg7[%get3A_91, %get3A_92] {strides = array<i32>} : memref<200x64xf32, #tpu.memory_space<vmem>>, vector<1x16xf32>,
        %get3A_94 = vector.shape_cast %get3A_93 : vector<1x16xf32> to vector<16xf32>
        %mul3A_95 = arith.constant 1.000000e+03 : f32
        %mul3A_96 = vector.broadcast %mul3A_95 : f32 to vector<16xf32>
        %mul3A_97 = arith.mulf %get3A_94, %mul3A_96 : vector<16xf32>
        %swap3A_98 = arith.index_cast %add3A_90 : i32 to index
        %swap3A_99 = arith.constant 32 : index
        %swap3A_100 = tpu.vector_load %arg7[%swap3A_98, %swap3A_99] {strides = array<i32>} : memref<200x64xf32, #tpu.memory_space<vmem>>, vector<1x16xf32>,
        %swap3A_101 = vector.shape_cast %swap3A_100 : vector<1x16xf32> to vector<16xf32>
        %swap3A_102 = vector.shape_cast %mul3A_97 : vector<16xf32> to vector<1x16xf32>
        tpu.vector_store %arg7[%swap3A_98, %swap3A_99], %swap3A_102 {strides = array<i32>} : memref<200x64xf32, #tpu.memory_space<vmem>>, vector<1x16xf32>,
        %mul3A_103 = arith.constant 4 : i32
        %mul3A_104 = arith.muli %scan3A_56, %mul3A_103 : i32
        %add3A_105 = arith.constant 0 : i32
        %add3A_106 = arith.addi %mul3A_104, %add3A_105 : i32
        %get3A_107 = arith.index_cast %add3A_106 : i32 to index
        %get3A_108 = arith.constant 48 : index
        %get3A_109 = tpu.vector_load %arg7[%get3A_107, %get3A_108] {strides = array<i32>} : memref<200x64xf32, #tpu.memory_space<vmem>>, vector<1x16xf32>,
        %get3A_110 = vector.shape_cast %get3A_109 : vector<1x16xf32> to vector<16xf32>
        %mul3A_111 = arith.constant 1.000000e+03 : f32
        %mul3A_112 = vector.broadcast %mul3A_111 : f32 to vector<16xf32>
        %mul3A_113 = arith.mulf %get3A_110, %mul3A_112 : vector<16xf32>
        %swap3A_114 = arith.index_cast %add3A_106 : i32 to index
        %swap3A_115 = arith.constant 48 : index
        %swap3A_116 = tpu.vector_load %arg7[%swap3A_114, %swap3A_115] {strides = array<i32>} : memref<200x64xf32, #tpu.memory_space<vmem>>, vector<1x16xf32>,
        %swap3A_117 = vector.shape_cast %swap3A_116 : vector<1x16xf32> to vector<16xf32>
        %swap3A_118 = vector.shape_cast %mul3A_113 : vector<16xf32> to vector<1x16xf32>
        tpu.vector_store %arg7[%swap3A_114, %swap3A_115], %swap3A_118 {strides = array<i32>} : memref<200x64xf32, #tpu.memory_space<vmem>>, vector<1x16xf32>,
        %mul3A_119 = arith.constant 4 : i32
        %mul3A_120 = arith.muli %scan3A_56, %mul3A_119 : i32
        %add3A_121 = arith.constant 1 : i32
        %add3A_122 = arith.addi %mul3A_120, %add3A_121 : i32
        %get3A_123 = arith.index_cast %add3A_122 : i32 to index
        %get3A_124 = arith.constant 0 : index
        %get3A_125 = tpu.vector_load %arg7[%get3A_123, %get3A_124] {strides = array<i32>} : memref<200x64xf32, #tpu.memory_space<vmem>>, vector<1x16xf32>,
        %get3A_126 = vector.shape_cast %get3A_125 : vector<1x16xf32> to vector<16xf32>
        %mul3A_127 = arith.constant 1.000000e+03 : f32
        %mul3A_128 = vector.broadcast %mul3A_127 : f32 to vector<16xf32>
        %mul3A_129 = arith.mulf %get3A_126, %mul3A_128 : vector<16xf32>
        %swap3A_130 = arith.index_cast %add3A_122 : i32 to index
        %swap3A_131 = arith.constant 0 : index
        %swap3A_132 = tpu.vector_load %arg7[%swap3A_130, %swap3A_131] {strides = array<i32>} : memref<200x64xf32, #tpu.memory_space<vmem>>, vector<1x16xf32>,
        %swap3A_133 = vector.shape_cast %swap3A_132 : vector<1x16xf32> to vector<16xf32>
        %swap3A_134 = vector.shape_cast %mul3A_129 : vector<16xf32> to vector<1x16xf32>
        tpu.vector_store %arg7[%swap3A_130, %swap3A_131], %swap3A_134 {strides = array<i32>} : memref<200x64xf32, #tpu.memory_space<vmem>>, vector<1x16xf32>,
        %mul3A_135 = arith.constant 4 : i32
        %mul3A_136 = arith.muli %scan3A_56, %mul3A_135 : i32
        %add3A_137 = arith.constant 1 : i32
        %add3A_138 = arith.addi %mul3A_136, %add3A_137 : i32
        %get3A_139 = arith.index_cast %add3A_138 : i32 to index
        %get3A_140 = arith.constant 16 : index
        %get3A_141 = tpu.vector_load %arg7[%get3A_139, %get3A_140] {strides = array<i32>} : memref<200x64xf32, #tpu.memory_space<vmem>>, vector<1x16xf32>,
        %get3A_142 = vector.shape_cast %get3A_141 : vector<1x16xf32> to vector<16xf32>
        %mul3A_143 = arith.constant 1.000000e+03 : f32
        %mul3A_144 = vector.broadcast %mul3A_143 : f32 to vector<16xf32>
        %mul3A_145 = arith.mulf %get3A_142, %mul3A_144 : vector<16xf32>
        %swap3A_146 = arith.index_cast %add3A_138 : i32 to index
        %swap3A_147 = arith.constant 16 : index
        %swap3A_148 = tpu.vector_load %arg7[%swap3A_146, %swap3A_147] {strides = array<i32>} : memref<200x64xf32, #tpu.memory_space<vmem>>, vector<1x16xf32>,
        %swap3A_149 = vector.shape_cast %swap3A_148 : vector<1x16xf32> to vector<16xf32>
        %swap3A_150 = vector.shape_cast %mul3A_145 : vector<16xf32> to vector<1x16xf32>
        tpu.vector_store %arg7[%swap3A_146, %swap3A_147], %swap3A_150 {strides = array<i32>} : memref<200x64xf32, #tpu.memory_space<vmem>>, vector<1x16xf32>,
        %mul3A_151 = arith.constant 4 : i32
        %mul3A_152 = arith.muli %scan3A_56, %mul3A_151 : i32
        %add3A_153 = arith.constant 1 : i32
        %add3A_154 = arith.addi %mul3A_152, %add3A_153 : i32
        %get3A_155 = arith.index_cast %add3A_154 : i32 to index
        %get3A_156 = arith.constant 32 : index
        %get3A_157 = tpu.vector_load %arg7[%get3A_155, %get3A_156] {strides = array<i32>} : memref<200x64xf32, #tpu.memory_space<vmem>>, vector<1x16xf32>,
        %get3A_158 = vector.shape_cast %get3A_157 : vector<1x16xf32> to vector<16xf32>
        %mul3A_159 = arith.constant 1.000000e+03 : f32
        %mul3A_160 = vector.broadcast %mul3A_159 : f32 to vector<16xf32>
        %mul3A_161 = arith.mulf %get3A_158, %mul3A_160 : vector<16xf32>
        %swap3A_162 = arith.index_cast %add3A_154 : i32 to index
        %swap3A_163 = arith.constant 32 : index
        %swap3A_164 = tpu.vector_load %arg7[%swap3A_162, %swap3A_163] {strides = array<i32>} : memref<200x64xf32, #tpu.memory_space<vmem>>, vector<1x16xf32>,
        %swap3A_165 = vector.shape_cast %swap3A_164 : vector<1x16xf32> to vector<16xf32>
        %swap3A_166 = vector.shape_cast %mul3A_161 : vector<16xf32> to vector<1x16xf32>
        tpu.vector_store %arg7[%swap3A_162, %swap3A_163], %swap3A_166 {strides = array<i32>} : memref<200x64xf32, #tpu.memory_space<vmem>>, vector<1x16xf32>,
        %mul3A_167 = arith.constant 4 : i32
        %mul3A_168 = arith.muli %scan3A_56, %mul3A_167 : i32
        %add3A_169 = arith.constant 1 : i32
        %add3A_170 = arith.addi %mul3A_168, %add3A_169 : i32
        %get3A_171 = arith.index_cast %add3A_170 : i32 to index
        %get3A_172 = arith.constant 48 : index
        %get3A_173 = tpu.vector_load %arg7[%get3A_171, %get3A_172] {strides = array<i32>} : memref<200x64xf32, #tpu.memory_space<vmem>>, vector<1x16xf32>,
        %get3A_174 = vector.shape_cast %get3A_173 : vector<1x16xf32> to vector<16xf32>
        %mul3A_175 = arith.constant 1.000000e+03 : f32
        %mul3A_176 = vector.broadcast %mul3A_175 : f32 to vector<16xf32>
        %mul3A_177 = arith.mulf %get3A_174, %mul3A_176 : vector<16xf32>
        %swap3A_178 = arith.index_cast %add3A_170 : i32 to index
        %swap3A_179 = arith.constant 48 : index
        %swap3A_180 = tpu.vector_load %arg7[%swap3A_178, %swap3A_179] {strides = array<i32>} : memref<200x64xf32, #tpu.memory_space<vmem>>, vector<1x16xf32>,
        %swap3A_181 = vector.shape_cast %swap3A_180 : vector<1x16xf32> to vector<16xf32>
        %swap3A_182 = vector.shape_cast %mul3A_177 : vector<16xf32> to vector<1x16xf32>
        tpu.vector_store %arg7[%swap3A_178, %swap3A_179], %swap3A_182 {strides = array<i32>} : memref<200x64xf32, #tpu.memory_space<vmem>>, vector<1x16xf32>,
        %mul3A_183 = arith.constant 4 : i32
        %mul3A_184 = arith.muli %scan3A_56, %mul3A_183 : i32
        %add3A_185 = arith.constant 2 : i32
        %add3A_186 = arith.addi %mul3A_184, %add3A_185 : i32
        %get3A_187 = arith.index_cast %add3A_186 : i32 to index
        %get3A_188 = arith.constant 0 : index
        %get3A_189 = tpu.vector_load %arg7[%get3A_187, %get3A_188] {strides = array<i32>} : memref<200x64xf32, #tpu.memory_space<vmem>>, vector<1x16xf32>,
        %get3A_190 = vector.shape_cast %get3A_189 : vector<1x16xf32> to vector<16xf32>
        %mul3A_191 = arith.constant 1.000000e+03 : f32
        %mul3A_192 = vector.broadcast %mul3A_191 : f32 to vector<16xf32>
        %mul3A_193 = arith.mulf %get3A_190, %mul3A_192 : vector<16xf32>
        %swap3A_194 = arith.index_cast %add3A_186 : i32 to index
        %swap3A_195 = arith.constant 0 : index
        %swap3A_196 = tpu.vector_load %arg7[%swap3A_194, %swap3A_195] {strides = array<i32>} : memref<200x64xf32, #tpu.memory_space<vmem>>, vector<1x16xf32>,
        %swap3A_197 = vector.shape_cast %swap3A_196 : vector<1x16xf32> to vector<16xf32>
        %swap3A_198 = vector.shape_cast %mul3A_193 : vector<16xf32> to vector<1x16xf32>
        tpu.vector_store %arg7[%swap3A_194, %swap3A_195], %swap3A_198 {strides = array<i32>} : memref<200x64xf32, #tpu.memory_space<vmem>>, vector<1x16xf32>,
        %mul3A_199 = arith.constant 4 : i32
        %mul3A_200 = arith.muli %scan3A_56, %mul3A_199 : i32
        %add3A_201 = arith.constant 2 : i32
        %add3A_202 = arith.addi %mul3A_200, %add3A_201 : i32
        %get3A_203 = arith.index_cast %add3A_202 : i32 to index
        %get3A_204 = arith.constant 16 : index
        %get3A_205 = tpu.vector_load %arg7[%get3A_203, %get3A_204] {strides = array<i32>} : memref<200x64xf32, #tpu.memory_space<vmem>>, vector<1x16xf32>,
        %get3A_206 = vector.shape_cast %get3A_205 : vector<1x16xf32> to vector<16xf32>
        %mul3A_207 = arith.constant 1.000000e+03 : f32
        %mul3A_208 = vector.broadcast %mul3A_207 : f32 to vector<16xf32>
        %mul3A_209 = arith.mulf %get3A_206, %mul3A_208 : vector<16xf32>
        %swap3A_210 = arith.index_cast %add3A_202 : i32 to index
        %swap3A_211 = arith.constant 16 : index
        %swap3A_212 = tpu.vector_load %arg7[%swap3A_210, %swap3A_211] {strides = array<i32>} : memref<200x64xf32, #tpu.memory_space<vmem>>, vector<1x16xf32>,
        %swap3A_213 = vector.shape_cast %swap3A_212 : vector<1x16xf32> to vector<16xf32>
        %swap3A_214 = vector.shape_cast %mul3A_209 : vector<16xf32> to vector<1x16xf32>
        tpu.vector_store %arg7[%swap3A_210, %swap3A_211], %swap3A_214 {strides = array<i32>} : memref<200x64xf32, #tpu.memory_space<vmem>>, vector<1x16xf32>,
        %mul3A_215 = arith.constant 4 : i32
        %mul3A_216 = arith.muli %scan3A_56, %mul3A_215 : i32
        %add3A_217 = arith.constant 2 : i32
        %add3A_218 = arith.addi %mul3A_216, %add3A_217 : i32
        %get3A_219 = arith.index_cast %add3A_218 : i32 to index
        %get3A_220 = arith.constant 32 : index
        %get3A_221 = tpu.vector_load %arg7[%get3A_219, %get3A_220] {strides = array<i32>} : memref<200x64xf32, #tpu.memory_space<vmem>>, vector<1x16xf32>,
        %get3A_222 = vector.shape_cast %get3A_221 : vector<1x16xf32> to vector<16xf32>
        %mul3A_223 = arith.constant 1.000000e+03 : f32
        %mul3A_224 = vector.broadcast %mul3A_223 : f32 to vector<16xf32>
        %mul3A_225 = arith.mulf %get3A_222, %mul3A_224 : vector<16xf32>
        %swap3A_226 = arith.index_cast %add3A_218 : i32 to index
        %swap3A_227 = arith.constant 32 : index
        %swap3A_228 = tpu.vector_load %arg7[%swap3A_226, %swap3A_227] {strides = array<i32>} : memref<200x64xf32, #tpu.memory_space<vmem>>, vector<1x16xf32>,
        %swap3A_229 = vector.shape_cast %swap3A_228 : vector<1x16xf32> to vector<16xf32>
        %swap3A_230 = vector.shape_cast %mul3A_225 : vector<16xf32> to vector<1x16xf32>
        tpu.vector_store %arg7[%swap3A_226, %swap3A_227], %swap3A_230 {strides = array<i32>} : memref<200x64xf32, #tpu.memory_space<vmem>>, vector<1x16xf32>,
        %mul3A_231 = arith.constant 4 : i32
        %mul3A_232 = arith.muli %scan3A_56, %mul3A_231 : i32
        %add3A_233 = arith.constant 2 : i32
        %add3A_234 = arith.addi %mul3A_232, %add3A_233 : i32
        %get3A_235 = arith.index_cast %add3A_234 : i32 to index
        %get3A_236 = arith.constant 48 : index
        %get3A_237 = tpu.vector_load %arg7[%get3A_235, %get3A_236] {strides = array<i32>} : memref<200x64xf32, #tpu.memory_space<vmem>>, vector<1x16xf32>,
        %get3A_238 = vector.shape_cast %get3A_237 : vector<1x16xf32> to vector<16xf32>
        %mul3A_239 = arith.constant 1.000000e+03 : f32
        %mul3A_240 = vector.broadcast %mul3A_239 : f32 to vector<16xf32>
        %mul3A_241 = arith.mulf %get3A_238, %mul3A_240 : vector<16xf32>
        %swap3A_242 = arith.index_cast %add3A_234 : i32 to index
        %swap3A_243 = arith.constant 48 : index
        %swap3A_244 = tpu.vector_load %arg7[%swap3A_242, %swap3A_243] {strides = array<i32>} : memref<200x64xf32, #tpu.memory_space<vmem>>, vector<1x16xf32>,
        %swap3A_245 = vector.shape_cast %swap3A_244 : vector<1x16xf32> to vector<16xf32>
        %swap3A_246 = vector.shape_cast %mul3A_241 : vector<16xf32> to vector<1x16xf32>
        tpu.vector_store %arg7[%swap3A_242, %swap3A_243], %swap3A_246 {strides = array<i32>} : memref<200x64xf32, #tpu.memory_space<vmem>>, vector<1x16xf32>,
        %mul3A_247 = arith.constant 4 : i32
        %mul3A_248 = arith.muli %scan3A_56, %mul3A_247 : i32
        %add3A_249 = arith.constant 3 : i32
        %add3A_250 = arith.addi %mul3A_248, %add3A_249 : i32
        %get3A_251 = arith.index_cast %add3A_250 : i32 to index
        %get3A_252 = arith.constant 0 : index
        %get3A_253 = tpu.vector_load %arg7[%get3A_251, %get3A_252] {strides = array<i32>} : memref<200x64xf32, #tpu.memory_space<vmem>>, vector<1x16xf32>,
        %get3A_254 = vector.shape_cast %get3A_253 : vector<1x16xf32> to vector<16xf32>
        %mul3A_255 = arith.constant 1.000000e+03 : f32
        %mul3A_256 = vector.broadcast %mul3A_255 : f32 to vector<16xf32>
        %mul3A_257 = arith.mulf %get3A_254, %mul3A_256 : vector<16xf32>
        %swap3A_258 = arith.index_cast %add3A_250 : i32 to index
        %swap3A_259 = arith.constant 0 : index
        %swap3A_260 = tpu.vector_load %arg7[%swap3A_258, %swap3A_259] {strides = array<i32>} : memref<200x64xf32, #tpu.memory_space<vmem>>, vector<1x16xf32>,
        %swap3A_261 = vector.shape_cast %swap3A_260 : vector<1x16xf32> to vector<16xf32>
        %swap3A_262 = vector.shape_cast %mul3A_257 : vector<16xf32> to vector<1x16xf32>
        tpu.vector_store %arg7[%swap3A_258, %swap3A_259], %swap3A_262 {strides = array<i32>} : memref<200x64xf32, #tpu.memory_space<vmem>>, vector<1x16xf32>,
        %mul3A_263 = arith.constant 4 : i32
        %mul3A_264 = arith.muli %scan3A_56, %mul3A_263 : i32
        %add3A_265 = arith.constant 3 : i32
        %add3A_266 = arith.addi %mul3A_264, %add3A_265 : i32
        %get3A_267 = arith.index_cast %add3A_266 : i32 to index
        %get3A_268 = arith.constant 16 : index
        %get3A_269 = tpu.vector_load %arg7[%get3A_267, %get3A_268] {strides = array<i32>} : memref<200x64xf32, #tpu.memory_space<vmem>>, vector<1x16xf32>,
        %get3A_270 = vector.shape_cast %get3A_269 : vector<1x16xf32> to vector<16xf32>
        %mul3A_271 = arith.constant 1.000000e+03 : f32
        %mul3A_272 = vector.broadcast %mul3A_271 : f32 to vector<16xf32>
        %mul3A_273 = arith.mulf %get3A_270, %mul3A_272 : vector<16xf32>
        %swap3A_274 = arith.index_cast %add3A_266 : i32 to index
        %swap3A_275 = arith.constant 16 : index
        %swap3A_276 = tpu.vector_load %arg7[%swap3A_274, %swap3A_275] {strides = array<i32>} : memref<200x64xf32, #tpu.memory_space<vmem>>, vector<1x16xf32>,
        %swap3A_277 = vector.shape_cast %swap3A_276 : vector<1x16xf32> to vector<16xf32>
        %swap3A_278 = vector.shape_cast %mul3A_273 : vector<16xf32> to vector<1x16xf32>
        tpu.vector_store %arg7[%swap3A_274, %swap3A_275], %swap3A_278 {strides = array<i32>} : memref<200x64xf32, #tpu.memory_space<vmem>>, vector<1x16xf32>,
        %mul3A_279 = arith.constant 4 : i32
        %mul3A_280 = arith.muli %scan3A_56, %mul3A_279 : i32
        %add3A_281 = arith.constant 3 : i32
        %add3A_282 = arith.addi %mul3A_280, %add3A_281 : i32
        %get3A_283 = arith.index_cast %add3A_282 : i32 to index
        %get3A_284 = arith.constant 32 : index
        %get3A_285 = tpu.vector_load %arg7[%get3A_283, %get3A_284] {strides = array<i32>} : memref<200x64xf32, #tpu.memory_space<vmem>>, vector<1x16xf32>,
        %get3A_286 = vector.shape_cast %get3A_285 : vector<1x16xf32> to vector<16xf32>
        %mul3A_287 = arith.constant 1.000000e+03 : f32
        %mul3A_288 = vector.broadcast %mul3A_287 : f32 to vector<16xf32>
        %mul3A_289 = arith.mulf %get3A_286, %mul3A_288 : vector<16xf32>
        %swap3A_290 = arith.index_cast %add3A_282 : i32 to index
        %swap3A_291 = arith.constant 32 : index
        %swap3A_292 = tpu.vector_load %arg7[%swap3A_290, %swap3A_291] {strides = array<i32>} : memref<200x64xf32, #tpu.memory_space<vmem>>, vector<1x16xf32>,
        %swap3A_293 = vector.shape_cast %swap3A_292 : vector<1x16xf32> to vector<16xf32>
        %swap3A_294 = vector.shape_cast %mul3A_289 : vector<16xf32> to vector<1x16xf32>
        tpu.vector_store %arg7[%swap3A_290, %swap3A_291], %swap3A_294 {strides = array<i32>} : memref<200x64xf32, #tpu.memory_space<vmem>>, vector<1x16xf32>,
        %mul3A_295 = arith.constant 4 : i32
        %mul3A_296 = arith.muli %scan3A_56, %mul3A_295 : i32
        %add3A_297 = arith.constant 3 : i32
        %add3A_298 = arith.addi %mul3A_296, %add3A_297 : i32
        %get3A_299 = arith.index_cast %add3A_298 : i32 to index
        %get3A_300 = arith.constant 48 : index
        %get3A_301 = tpu.vector_load %arg7[%get3A_299, %get3A_300] {strides = array<i32>} : memref<200x64xf32, #tpu.memory_space<vmem>>, vector<1x16xf32>,
        %get3A_302 = vector.shape_cast %get3A_301 : vector<1x16xf32> to vector<16xf32>
        %mul3A_303 = arith.constant 1.000000e+03 : f32
        %mul3A_304 = vector.broadcast %mul3A_303 : f32 to vector<16xf32>
        %mul3A_305 = arith.mulf %get3A_302, %mul3A_304 : vector<16xf32>
        %swap3A_306 = arith.index_cast %add3A_298 : i32 to index
        %swap3A_307 = arith.constant 48 : index
        %swap3A_308 = tpu.vector_load %arg7[%swap3A_306, %swap3A_307] {strides = array<i32>} : memref<200x64xf32, #tpu.memory_space<vmem>>, vector<1x16xf32>,
        %swap3A_309 = vector.shape_cast %swap3A_308 : vector<1x16xf32> to vector<16xf32>
        %swap3A_310 = vector.shape_cast %mul3A_305 : vector<16xf32> to vector<1x16xf32>
        tpu.vector_store %arg7[%swap3A_306, %swap3A_307], %swap3A_310 {strides = array<i32>} : memref<200x64xf32, #tpu.memory_space<vmem>>, vector<1x16xf32>,
      }
      %scan3A_54 = arith.constant 50 : i32
      %add3A_55 = arith.addi %mul3A_2, %add3A_42 : i32
      "tpu.region"() ({
        %run_scoped3A = tpu.sem_alloc : memref<!tpu.dma_semaphore, #tpu.memory_space<semaphore_mem>>
        %dma_start3A_56 = arith.constant 0 : i32
        %dma_start3A_57 = arith.constant 0 : i32
        %dma_start3A_58 = tpu.memref_slice %arg4[%add3A_55, %dma_start3A_56, %dma_start3A_57] : memref<4096x200x128xf32, #tpu.memory_space<hbm>> -> memref<1x200x128xf32, #tpu.memory_space<hbm>>
        %dma_start3A_59 = tpu.memref_squeeze %dma_start3A_58 : memref<1x200x128xf32, #tpu.memory_space<hbm>> -> memref<200x128xf32, #tpu.memory_space<hbm>>
        %dma_start3A_60 = arith.constant 0 : i32
        %dma_start3A_61 = arith.constant 0 : i32
        %dma_start3A_62 = tpu.memref_slice %dma_start3A_59[%dma_start3A_60, %dma_start3A_61] : memref<200x128xf32, #tpu.memory_space<hbm>> -> memref<200x64xf32, #tpu.memory_space<hbm>>
        %dma_start3A_63 = arith.constant 0 : i32
        %dma_start3A_64 = arith.constant 0 : i32
        %dma_start3A_65 = tpu.memref_slice %arg4[%add3A_55, %dma_start3A_63, %dma_start3A_64] : memref<4096x200x128xf32, #tpu.memory_space<hbm>> -> memref<1x200x128xf32, #tpu.memory_space<hbm>>
        %dma_start3A_66 = tpu.memref_squeeze %dma_start3A_65 : memref<1x200x128xf32, #tpu.memory_space<hbm>> -> memref<200x128xf32, #tpu.memory_space<hbm>>
        %dma_start3A_67 = arith.constant 0 : i32
        %dma_start3A_68 = arith.constant 0 : i32
        %dma_start3A_69 = tpu.memref_slice %dma_start3A_66[%dma_start3A_67, %dma_start3A_68] : memref<200x128xf32, #tpu.memory_space<hbm>> -> memref<200x64xf32, #tpu.memory_space<hbm>>
        tpu.enqueue_dma source(%arg7 : memref<200x64xf32, #tpu.memory_space<vmem>>) target(%dma_start3A_69 : memref<200x64xf32, #tpu.memory_space<hbm>>) target_semaphore(%run_scoped3A : memref<!tpu.dma_semaphore, #tpu.memory_space<semaphore_mem>>)
        %dma_wait3A_70 = arith.constant 0 : i32
        %dma_wait3A_71 = arith.constant 0 : i32
        %dma_wait3A_72 = tpu.memref_slice %arg4[%add3A_55, %dma_wait3A_70, %dma_wait3A_71] : memref<4096x200x128xf32, #tpu.memory_space<hbm>> -> memref<1x200x128xf32, #tpu.memory_space<hbm>>
        %dma_wait3A_73 = tpu.memref_squeeze %dma_wait3A_72 : memref<1x200x128xf32, #tpu.memory_space<hbm>> -> memref<200x128xf32, #tpu.memory_space<hbm>>
        %dma_wait3A_74 = arith.constant 0 : i32
        %dma_wait3A_75 = arith.constant 0 : i32
        %dma_wait3A_76 = tpu.memref_slice %dma_wait3A_73[%dma_wait3A_74, %dma_wait3A_75] : memref<200x128xf32, #tpu.memory_space<hbm>> -> memref<200x64xf32, #tpu.memory_space<hbm>>
        %dma_wait3A_77 = arith.constant 0 : i32
        %dma_wait3A_78 = arith.constant 0 : i32
        %dma_wait3A_79 = tpu.memref_slice %arg4[%add3A_55, %dma_wait3A_77, %dma_wait3A_78] : memref<4096x200x128xf32, #tpu.memory_space<hbm>> -> memref<1x200x128xf32, #tpu.memory_space<hbm>>
        %dma_wait3A_80 = tpu.memref_squeeze %dma_wait3A_79 : memref<1x200x128xf32, #tpu.memory_space<hbm>> -> memref<200x128xf32, #tpu.memory_space<hbm>>
        %dma_wait3A_81 = arith.constant 0 : i32
        %dma_wait3A_82 = arith.constant 0 : i32
        %dma_wait3A_83 = tpu.memref_slice %dma_wait3A_80[%dma_wait3A_81, %dma_wait3A_82] : memref<200x128xf32, #tpu.memory_space<hbm>> -> memref<200x64xf32, #tpu.memory_space<hbm>>
        tpu.wait_dma2 semaphore(%run_scoped3A : memref<!tpu.dma_semaphore, #tpu.memory_space<semaphore_mem>>) src(%arg7 : memref<200x64xf32, #tpu.memory_space<vmem>>) dst(%dma_wait3A_83 : memref<200x64xf32, #tpu.memory_space<hbm>>)
        tpu.yield
      }) : () -> ()
    }
    %scan3A_13 = arith.constant 64 : i32
    return
  }
}

</mosaic_0001>

<sc_bundles>
// kernel: _emb_lookup.3.cloned.1.call-start
scs
__scs_entry_jumppad:
0x0: {  	(pc) =	sbr.rel $0x88, $3  }
0x1: {  	(tag) =	ssettag $0x0;
	lr =	simm.s32 $0x1  }
0x2: {  	[smem:$0x3F9F] =	sst lr;
	_ =	strace $0xD0000000  }
0x3: {  	_ = 	snop  }
0x4: {  	_ = 	snop  }
0x5: {  	_ = 	snop  }
0x6: {  	_ = 	snop  }
0x7: {  	_ = 	snop  }
__scs_overlays_trampoline_lowered:
0x8: {  	[smem:$0x3FAE] =	sst s0  }
0x9: {  	[smem:$0x3FAF] =	sst s1  }
0xa: {  	[smem:$0x3FB0] =	sst s2  }
0xb: {  	[smem:$0x3FB1] =	sst s3  }
0xc: {  	[smem:$0x3FB2] =	sst s4  }
0xd: {  	[smem:$0x3FB3] =	sst s5  }
0xe: {  	[smem:$0x3FB4] =	sst s6  }
0xf: {  	[smem:$0x3FB5] =	sst s7  }
0x10: {  	[smem:$0x3FB6] =	sst s8  }
0x11: {  	[smem:$0x3FB7] =	sst s9;
	s0 =	simm.s32 @!p0 $0x0  }
0x12: {  	s1 =	sld [smem:$0x3F9D];
	s0 =	simm.s32 @p0 $0x1  }
0x13: {  	[smem:$0x3FB8] =	sst s0;
	s0 =	simm.s32 @!p1 $0x0  }
0x14: {  	s2 =	sld [smem:$0x3F9C];
	s0 =	simm.s32 @p1 $0x1  }
0x15: {  	[smem:$0x3FB9] =	sst s0;
	s0 =	simm.s32 @!p2 $0x0  }
0x16: {  	s3 =	sld [smem:$0x3FDB];
	s0 =	simm.s32 @p2 $0x1  }
0x17: {  	s4 =	simm.s32 $0x1BF5;
	[smem:$0x3FBB] =	sst s0  }
0x18: {  	s0 =	sld [smem:$0x3F9E];
	_ =	swait.ge [sflag:s4], $0x0  }
0x19: {  	s7 =	sld [smem:$0x3F9F]  }
0x1a: {  	s8 =	sadd.s32 $0xFFFFE003, lr  }
0x1b: {  	s9 =	sadd.s32 $0xFFFFFEF7, lr;
	s5 =	simm.s32 $0xFFFFFFFF;
	p2 =	slt.u32 s8, $0xFFFFF086  }
0x1c: {  	p1 =	slt.u32 s9, $0xF7A;
	s5 =	simm.s32 @!p2 $0x0  }
0x1d: {  	s5 =	simm.s32 @p1 $0x1;
	p0 =	seq.s32 s7, s2  }
0x1e: {  	s7 =	smul.u32 @!p0 $0xF7A, s2;
	p2 =	seq.s32 @!p0 s5, $0x0  }
0x1f: {  	s9 =	smul.u32 $0xF7A, s1;
	s8 =	simm.s32 @!p0 $0x1BF5;
	p2 =	por !p2, p0  }
0x20: {  	[sflag:s8] =	ssyncset.s32 @!p0 $0xFFFFF086;
	s6 =	sadd.s32 @!p0 s3, s7;
	s7 =	simm.s32 @!p0 $0x108  }
0x21: {  	s3 =	sadd.s32 s3, s9;
	s6 =	sadd.s32 @!p0 $0x88, s6;
	s7 =	simm.s32 @p2 $0x1082  }
0x22: {  	[simem:s7], [sflag:s8] =	dma.local @!p0 [hbm:s6], $0xF7A  }
0x23: {  	s9 =	sor.u32 $0xD0000000, s2;
	s6 =	simm.s32 $0x108;
	_ =	swait.ge @!p0 [sflag:s8], $0x0  }
0x24: {  	s3 =	sadd.s32 $0x88, s3;
	s6 =	simm.s32 @!p1 $0x1082;
	[sflag:s4] =	ssyncset.s32 $0xFFFFF086  }
0x25: {  	[simem:s6], [sflag:s4] =	dma.local [hbm:s3], $0xF7A  }
0x26: {  	[smem:$0x3F9F] =	sst s1;
	(tag) =	ssettag s2;
	_ =	strace s9  }
0x27: {  	s1 =	sld [smem:$0x3FAF]  }
0x28: {  	s2 =	sld [smem:$0x3FB0]  }
0x29: {  	s4 =	sld [smem:$0x3FB2]  }
0x2a: {  	p0 =	seq.s32 s5, $0x0;
	s5 =	sld [smem:$0x3FB3]  }
0x2b: {  	s6 =	sld [smem:$0x3FB4]  }
0x2c: {  	s7 =	sld [smem:$0x3FB5]  }
0x2d: {  	s3 =	simm.s32 $0x108;
	s8 =	sld [smem:$0x3FB6]  }
0x2e: {  	s3 =	simm.s32 @!p0 $0x1082;
	s9 =	sld [smem:$0x3FB7]  }
0x2f: {  	lr =	sadd.s32 s0, s3;
	s0 =	sld [smem:$0x3FAE]  }
0x30: {  	s3 =	sld [smem:$0x3FB1]  }
0x31: {  	[smem:$0x3FBA] =	sst s10  }
0x32: {  	s10 =	sld [smem:$0x3FB8];
	_ =	sdelay $0x3  }
0x33: {  	p0 =	seq.s32 s10, $0x1;
	s10 =	sld [smem:$0x3FBA];
	_ =	sdelay $0x3  }
0x34: {  	[smem:$0x3FBA] =	sst s10  }
0x35: {  	s10 =	sld [smem:$0x3FB9];
	_ =	sdelay $0x3  }
0x36: {  	p1 =	seq.s32 s10, $0x1;
	s10 =	sld [smem:$0x3FBA];
	_ =	sdelay $0x3  }
0x37: {  	[smem:$0x3FBA] =	sst s10  }
0x38: {  	s10 =	sld [smem:$0x3FBB]  }
0x39: {  	_ = 	snop;
	(pc) =	sbr.ind lr, $3  }
0x3a: {  	_ = 	snop  }
0x3b: {  	_ = 	snop  }
0x3c: {  	p2 =	seq.s32 s10, $0x1;
	s10 =	sld [smem:$0x3FBA]  }
0x3d: {  	_ =	shalt  }
0x3e: {  	_ =	shalt  }
0x3f: {  	_ =	shalt  }
0x40: {  	_ =	shalt  }
0x41: {  	_ =	shalt  }
0x42: {  	_ =	shalt  }
0x43: {  	_ =	shalt  }
0x44: {  	_ =	shalt  }
0x45: {  	_ =	shalt  }
0x46: {  	_ =	shalt  }
0x47: {  	_ =	shalt  }
0x48: {  	_ =	shalt  }
0x49: {  	_ =	shalt  }
0x4a: {  	_ =	shalt  }
0x4b: {  	_ =	shalt  }
0x4c: {  	_ =	shalt  }
0x4d: {  	_ =	shalt  }
0x4e: {  	_ =	shalt  }
0x4f: {  	_ =	shalt  }
0x50: {  	_ =	shalt  }
0x51: {  	_ =	shalt  }
0x52: {  	_ =	shalt  }
0x53: {  	_ =	shalt  }
0x54: {  	_ =	shalt  }
0x55: {  	_ =	shalt  }
0x56: {  	_ =	shalt  }
0x57: {  	_ =	shalt  }
0x58: {  	_ =	shalt  }
0x59: {  	_ =	shalt  }
0x5a: {  	_ =	shalt  }
0x5b: {  	_ =	shalt  }
0x5c: {  	_ =	shalt  }
0x5d: {  	_ =	shalt  }
0x5e: {  	_ =	shalt  }
0x5f: {  	_ =	shalt  }
0x60: {  	_ =	shalt  }
0x61: {  	_ =	shalt  }
0x62: {  	_ =	shalt  }
0x63: {  	_ =	shalt  }
0x64: {  	_ =	shalt  }
0x65: {  	_ =	shalt  }
0x66: {  	_ =	shalt  }
0x67: {  	_ =	shalt  }
0x68: {  	_ =	shalt  }
0x69: {  	_ =	shalt  }
0x6a: {  	_ =	shalt  }
0x6b: {  	_ =	shalt  }
0x6c: {  	_ =	shalt  }
0x6d: {  	_ =	shalt  }
0x6e: {  	_ =	shalt  }
0x6f: {  	_ =	shalt  }
0x70: {  	_ =	shalt  }
0x71: {  	_ =	shalt  }
0x72: {  	_ =	shalt  }
0x73: {  	_ =	shalt  }
0x74: {  	_ =	shalt  }
0x75: {  	_ =	shalt  }
0x76: {  	_ =	shalt  }
0x77: {  	_ =	shalt  }
0x78: {  	_ =	shalt  }
0x79: {  	_ =	shalt  }
0x7a: {  	_ =	shalt  }
0x7b: {  	_ =	shalt  }
0x7c: {  	_ =	shalt  }
0x7d: {  	_ =	shalt  }
0x7e: {  	_ =	shalt  }
0x7f: {  	_ =	shalt  }
0x80: {  	_ =	shalt  }
0x81: {  	_ =	shalt  }
0x82: {  	_ =	shalt  }
0x83: {  	_ =	shalt  }
0x84: {  	_ =	shalt  }
0x85: {  	_ =	shalt  }
0x86: {  	_ =	shalt  }
0x87: {  	_ =	shalt  }
.Lfunc_end0:
.L_simem_size_0:
called_computation_lowered:
.L_overlay_start_0:
0x88: {  	s2 =	sld [smem:$0x3FD9]  }
0x89: {  	s3 =	sld [smem:$0x3FFE];
	_ =	sdelay $0x1  }
0x8a: {  	s1 =	srdreg.scid  }
0x8b: {  	s0 =	sand.u32 $0x1, s1  }
0x8c: {  	s17 =	sshll.u32 s0, $0xA;
	s2 =	sadd.s32 s3, s2  }
0x8d: {  	s2 =	sadd.s32 s2, s17  }
0x8e: {  	[smem:$0x3FC6] =	sst s2  }
0x8f: {  	_ = 	snop  }
0x90: {  	s2 =	sld [smem:$0x3FD0];
	(tm) =	ssettm $0x1  }
0x91: {  	s18 =	sld [smem:$0x3FFB];
	_ =	sdelay $0x3  }
0x92: {  	_ =	strace s18  }
0x93: {  	s3 =	sld [smem:$0x3FFC];
	_ =	sdelay $0x3  }
0x94: {  	_ =	strace s3  }
0x95: {  	s3 =	sld [smem:$0x3FFD];
	_ =	sdelay $0x3  }
0x96: {  	_ =	strace s3  }
0x97: {  	_ =	strace $0x8FFFFFFF  }
0x98: {  	s19 =	sld [smem:$0x3FDB];
	_ =	sdelay $0x1  }
0x99: {  	s4 =	simm.s32 $_scs_section_size  }
0x9a: {  	s5 =	simm.s32 $_size__tile_overlayer_lowered;
	s6 =	simm.s32 $_tile_overlayer_lowered  }
0x9b: {  	s22 =	simm.s32 $0x1BFF;
	s21 =	sshll.u32 s6, $0x1;
	s3 =	sadd.s32 s4, s19  }
0x9c: {  	s7 =	simm.s32 $0x0;
	s20 =	sshll.u32 s5, $0x1;
	s5 =	sadd.s32 s21, s3  }
0x9d: {  	[timem:s7], [sflag:s22] =	dma.local [hbm:s5], s20  }
0x9e: {  	_ =	swait.ge [sflag:s22], s20  }
0x9f: {  	s4 =	ssub.s32 $0x0, s20;
	[sflag:s22] =	ssyncset.done $0x0  }
0xa0: {  	[sflag:s22] =	ssyncadd.s32 s4;
	_ =	sdelay $0x1  }
0xa1: {  	s23 =	simm.s32 $0x1B8B  }
0xa2: {  	_ =	swait.ge [sflag:s23], $0x1  }
0xa3: {  	[sflag:s23] =	ssyncset.done $0x0  }
0xa4: {  	s25 =	simm.s32 $0x1B8E;
	s24 =	sld [smem:$0x3FFE];
	[sflag:s23] =	ssyncadd.s32 $0xFFFFFFFF  }
0xa5: {  	s26 =	simm.s32 $execute0_lowered;
	[smem:$0x3FD2] =	sst s25  }
0xa6: {  	s5 =	sshll.u32 s26, $0x1;
	_ =	strace $0x80000046;
	[dreg:$0x1] =	wrdreg $0xFFFFFFFF  }
0xa7: {  	s28 =	simm.s32 $_size_execute0_lowered;
	s3 =	sadd.s32 s3, s5;
	[dreg:$0x0] =	wrdreg $0x0  }
0xa8: {  	s5 =	sshll.u32 s28, $0x1;
	[dreg:$0x2] =	wrdreg s3  }
0xa9: {  	[dreg:$0x3] =	wrdreg s5  }
0xaa: {  	[dreg:$0x4] =	wrdreg $0xC0  }
0xab: {  	_ =	task [dreg:s7], $0x5FFFF  }
0xac: {  	[dreg:$0x1] =	wrdreg $0xFFFFFFFF  }
0xad: {  	[dreg:$0x0] =	wrdreg $0x60  }
0xae: {  	[dreg:$0x2] =	wrdreg s24  }
0xaf: {  	[dreg:$0x3] =	wrdreg s2  }
0xb0: {  	[dreg:$0x4] =	wrdreg $0x9  }
0xb1: {  	_ =	task.clear_ibuf [dreg:s7], $0x5FFFF;
	_ =	strace $0x90000046  }
0xb2: {  	s29 =	simm.s32 $0x9;
	_ =	strace $0x80000048  }
0xb3: {  	_ =	swait.ge [sflag:s29], $0x1  }
0xb4: {  	[sflag:s29] =	ssyncadd.s32 $0xFFFFFFFF  }
0xb5: {  	_ =	strace $0x90000048  }
0xb6: {  	_ =	sfence  }
0xb7: {  	s30 =	sld [smem:$0x0];
	_ =	sdelay $0x2  }
0xb8: {  	s31 =	sshll.u32 s1, $0xD;
	s1 =	sshrl.u32 s1, $0x2  }
0xb9: {  	s3 =	sand.u32 $0x4000, s31;
	s1 =	sadd.s32 s1, s30  }
0xba: {  	s0 =	sor.u32 s3, s0;
	s1 =	sshll.u32 s1, $0x11  }
0xbb: {  	s0 =	sor.u32 s1, s0  }
0xbc: {  	s0 =	sadd.s32 $0x8F2B, s0  }
0xbd: {  	[sflag:s0] =	ssyncadd.remote.s32 $0x1  }
0xbe: {  	_ =	sfence.sel $0xFFFF  }
0xbf: {  	[dreg:$0x0] =	wrdreg $0xFFFFFFFF;
	(pc) =	sbr.abs _section_cstart, $3  }
0xc0: {  	[dreg:$0x1] =	wrdreg $0xFFFFFFFF  }
0xc1: {  	_ =	task.clear_ibuf [dreg:s7], $0x2FFFF;
	_ =	strace $0x9FFFFFFF  }
0xc2: {  	(tm) =	ssettm $0x7FFFFFFF  }
0xc3: {  	_ =	shalt  }
tec
execute0_lowered:
.L_overlay_start_1:
0x0: {  	(tag) =	ssettag $0x1  }
0x1: {  	s1 =	srdreg.scid;
	s5 =	rddreg [dreg:$0x0]  }
0x2: {  	s0 =	stileid.u32;
	s2 =	rddreg [dreg:$0x1];
	s9 =	simm.s32 $0xC8  }
0x3: {  	s10 =	simm.s32 $0x6400;
	s11 =	simm.s32 $0x9600;
	s12 =	simm.s32 $0x1  }
0x4: {  	s13 =	simm.s32 $0x40;
	s14 =	simm.s32 $0x80;
	s6 =	sand.u32 $0x1, s1  }
0x5: {  	s15 =	simm.s32 $0x2;
	s3 =	sshll.u32 s0, $0x8;
	s4 =	sshll.u32 s6, $0x7  }
0x6: {  	s1 =	rddreg [dreg:$0x2];
	s6 =	ssub.s32 $0x2, s6;
	s3 =	sor.u32 s4, s3  }
0x7: {  	s4 =	simm.s32 $0x0;
	s8 =	sshrl.u32 s6, $0x1;
	s7 =	smul.u32 $0x19, s3  }
0x8: {  	s16 =	simm.s32 $0x0;
	[smem:$0x7FF] =	sst s4;
	s8 =	ssub.s32 s6, s8  }
0x9: {  	_ =	strace $0x80000047;
	s7 =	sadd.s32 s7, s5;
	s5 =	sadd.s32 $0xF42A00, s5  }
0xa: {  	s6 =	sadd.s32 $0x600, s7;
	s7 =	smax.u32 s8, $0x1;
	s8 =	simm.s32 $0x3  }
.LBB2_1:
0xb: {  	[tilespmem:s4], [sflag:$0x3] =	stream.linear.gather [hbm4b:s6+s4], $0x6400, $0x38;
	[tilespmem:$0xC800] =	vst v63  }
0xc: {  	_ =	swait.ge [sflag:s8], $0x6400  }
0xd: {  	[sflag:s8] =	ssyncset.done $0x0  }
0xe: {  	s17 =	simm.s32 $0x0;
	[sflag:s8] =	ssyncadd.s32 $0xFFFF9C00  }
0xf: {  	[tilespmem:s10], [sflag:$0x1] =	stream.indirect.gather [hbm4b:s5+s9], $0x40, s4, s9, $0xb8;
	[tilespmem:$0xC800] =	vst v63  }
.LBB2_2:
0x10: {  	s18 =	sshllo.u32 s17, $0x1  }
0x11: {  	s19 =	smul.u32 $0x320, s18;
	_ =	sdelay $0x1  }
0x12: {  	s19 =	sshra.s32 s19, $0x2  }
0x13: {  	[tilespmem:s11], [sflag:$0x2] =	stream.indirect.gather [hbm4b:s5+s9], $0x40, s19, s9, $0xb8;
	[tilespmem:$0xC800] =	vst v63  }
0x14: {  	_ =	swait.ge [sflag:s12], $0x3200  }
0x15: {  	[sflag:s12] =	ssyncset.done $0x0  }
0x16: {  	s19 =	simm.s32 $0x0;
	[sflag:s12] =	ssyncadd.s32 $0xFFFFCE00  }
0x17: {  	v0 =	vld [tilespmem:s19+$0x6400]  }
0x18: {  	v1 =	vld [tilespmem:s19+$0x6410]  }
0x19: {  	v2 =	vld [tilespmem:s19+$0x6420]  }
0x1a: {  	v3 =	vld [tilespmem:s19+$0x6430]  }
0x1b: {  	v4 =	vld [tilespmem:s19+$0x6440]  }
0x1c: {  	v5 =	vld [tilespmem:s19+$0x6450];
	v0 =	vmul.f32 $1.000000000e+03, v0  }
0x1d: {  	v6 =	vld [tilespmem:s19+$0x6460];
	v1 =	vmul.f32 $1.000000000e+03, v1  }
0x1e: {  	v7 =	vld [tilespmem:s19+$0x6470];
	[tilespmem:s19+$0x6400] =	vst v0;
	v0 =	vmul.f32 $1.000000000e+03, v2  }
0x1f: {  	v8 =	vld [tilespmem:s19+$0x6480];
	[tilespmem:s19+$0x6410] =	vst v1;
	v1 =	vmul.f32 $1.000000000e+03, v3  }
0x20: {  	v9 =	vld [tilespmem:s19+$0x6490];
	[tilespmem:s19+$0x6420] =	vst v0;
	v0 =	vmul.f32 $1.000000000e+03, v4  }
0x21: {  	v2 =	vmul.f32 $1.000000000e+03, v5;
	[tilespmem:s19+$0x6430] =	vst v1;
	v1 =	vld [tilespmem:s19+$0x64A0]  }
0x22: {  	v3 =	vmul.f32 $1.000000000e+03, v6;
	[tilespmem:s19+$0x6440] =	vst v0;
	v0 =	vld [tilespmem:s19+$0x64B0]  }
0x23: {  	[tilespmem:s19+$0x6450] =	vst v2;
	v2 =	vld [tilespmem:s19+$0x64C0];
	v4 =	vmul.f32 $1.000000000e+03, v7  }
0x24: {  	v6 =	vmul.f32 $1.000000000e+03, v8;
	[tilespmem:s19+$0x6460] =	vst v3;
	v3 =	vld [tilespmem:s19+$0x64D0]  }
0x25: {  	s20 =	sshll.u32 s17, $0x1;
	s21 =	simm.s32 $0x400;
	v5 =	vmul.f32 $1.000000000e+03, v9;
	[tilespmem:s19+$0x6470] =	vst v4;
	v4 =	vld [tilespmem:s19+$0x64E0]  }
.LBB2_3:
0x26: {  	s22 =	sshra.s32 s21, $0x2;
	p0 =	sne.s32 s21, $0xC400;
	[tilespmem:s19+$0x6480] =	vst v6;
	v1 =	vmul.f32 $1.000000000e+03, v1;
	v6 =	vld [tilespmem:s19+$0x64F0]  }
0x27: {  	v7 =	vld [tilespmem:s22+$0x6400];
	[tilespmem:s19+$0x6490] =	vst v5;
	v0 =	vmul.f32 $1.000000000e+03, v0  }
0x28: {  	v5 =	vld [tilespmem:s22+$0x6410];
	[tilespmem:s19+$0x64A0] =	vst v1;
	v1 =	vmul.f32 $1.000000000e+03, v2  }
0x29: {  	v2 =	vld [tilespmem:s22+$0x6420];
	[tilespmem:s19+$0x64B0] =	vst v0;
	v0 =	vmul.f32 $1.000000000e+03, v3  }
0x2a: {  	v3 =	vld [tilespmem:s22+$0x6430];
	[tilespmem:s19+$0x64C0] =	vst v1;
	v1 =	vmul.f32 $1.000000000e+03, v4  }
0x2b: {  	v4 =	vld [tilespmem:s22+$0x6440];
	[tilespmem:s19+$0x64D0] =	vst v0;
	v0 =	vmul.f32 $1.000000000e+03, v6  }
0x2c: {  	v6 =	vmul.f32 $1.000000000e+03, v7;
	v7 =	vld [tilespmem:s22+$0x6450];
	[tilespmem:s19+$0x64E0] =	vst v1  }
0x2d: {  	v1 =	vmul.f32 $1.000000000e+03, v5;
	v5 =	vld [tilespmem:s22+$0x6460];
	[tilespmem:s19+$0x64F0] =	vst v0;
	s19 =	smov.u32 s22  }
0x2e: {  	[tilespmem:s19+$0x6400] =	vst v6;
	v0 =	vmul.f32 $1.000000000e+03, v2;
	v2 =	vld [tilespmem:s19+$0x6470]  }
0x2f: {  	[tilespmem:s19+$0x6410] =	vst v1;
	v1 =	vmul.f32 $1.000000000e+03, v3;
	v3 =	vld [tilespmem:s19+$0x6480]  }
0x30: {  	[tilespmem:s19+$0x6420] =	vst v0;
	v0 =	vmul.f32 $1.000000000e+03, v4;
	v4 =	vld [tilespmem:s19+$0x6490]  }
.Ltmp0:
0x31: {  	[tilespmem:s19+$0x6430] =	vst v1;
	v6 =	vmul.f32 $1.000000000e+03, v7;
	v1 =	vld [tilespmem:s19+$0x64A0];
	(pc) =	sbr.rel @p0 .LBB2_3-.Ltmp0, $4  }
0x32: {  	[tilespmem:s19+$0x6440] =	vst v0;
	v5 =	vmul.f32 $1.000000000e+03, v5;
	v0 =	vld [tilespmem:s19+$0x64B0]  }
0x33: {  	[tilespmem:s19+$0x6450] =	vst v6;
	v7 =	vmul.f32 $1.000000000e+03, v2;
	v2 =	vld [tilespmem:s19+$0x64C0]  }
0x34: {  	[tilespmem:s19+$0x6460] =	vst v5;
	v6 =	vmul.f32 $1.000000000e+03, v3;
	v3 =	vld [tilespmem:s19+$0x64D0]  }
0x35: {  	s21 =	sadd.s32 $0x400, s21;
	[tilespmem:s19+$0x6470] =	vst v7;
	v5 =	vmul.f32 $1.000000000e+03, v4;
	v4 =	vld [tilespmem:s19+$0x64E0]  }
0x36: {  	[tilespmem:s19+$0x6480] =	vst v6;
	v1 =	vmul.f32 $1.000000000e+03, v1;
	v6 =	vld [tilespmem:s19+$0x64F0]  }
0x37: {  	[tilespmem:s19+$0x6490] =	vst v5;
	v0 =	vmul.f32 $1.000000000e+03, v0  }
0x38: {  	[tilespmem:s19+$0x64A0] =	vst v1;
	v1 =	vmul.f32 $1.000000000e+03, v2  }
0x39: {  	[tilespmem:s19+$0x64B0] =	vst v0;
	v0 =	vmul.f32 $1.000000000e+03, v3  }
0x3a: {  	s20 =	sadd.s32 s3, s20;
	[tilespmem:s19+$0x64C0] =	vst v1;
	v1 =	vmul.f32 $1.000000000e+03, v4  }
0x3b: {  	s20 =	smul.u32 $0xC80, s20;
	[tilespmem:s19+$0x64D0] =	vst v0;
	v0 =	vmul.f32 $1.000000000e+03, v6  }
0x3c: {  	p0 =	seq.s32 s17, $0x3F;
	[tilespmem:s19+$0x64E0] =	vst v1  }
0x3d: {  	s31 =	sadd.s32 s2, s20;
	[tilespmem:s19+$0x64F0] =	vst v0;
	s19 =	smul.u32 @!p0 $0x640, s17  }
0x3e: {  	[hbm4b:s31+s13] =	stream.strided.scatter [tilespmem:s10], [sflag:$0x3], $0x3200, s14, s13, $0x38;
	[tilespmem:$0xC800] =	vst v63  }
0x3f: {  	_ =	swait.ge [sflag:s8], $0x3200  }
0x40: {  	s21 =	simm.s32 @!p0 $0x6400;
	s19 =	sshra.s32 @!p0 s19, $0x2;
	[sflag:s8] =	ssyncset.done $0x0  }
0x41: {  	s20 =	simm.s32 @!p0 $0xC8;
	s19 =	sadd.s32 @!p0 $0x190, s19;
	[sflag:s8] =	ssyncadd.s32 $0xFFFFCE00  }
0x42: {  	[tilespmem:s21], [sflag:$0x1] =	stream.indirect.gather @!p0 [hbm4b:s5+s20], $0x40, s19, s20, $0xb8;
	[tilespmem:$0xC800] =	vst v63  }
0x43: {  	_ =	swait.ge [sflag:s15], $0x3200  }
0x44: {  	[sflag:s15] =	ssyncset.done $0x0  }
0x45: {  	s19 =	simm.s32 $0x0;
	[sflag:s15] =	ssyncadd.s32 $0xFFFFCE00  }
0x46: {  	v0 =	vld [tilespmem:s19+$0x9600]  }
0x47: {  	v1 =	vld [tilespmem:s19+$0x9610]  }
0x48: {  	v2 =	vld [tilespmem:s19+$0x9620]  }
0x49: {  	v3 =	vld [tilespmem:s19+$0x9630]  }
0x4a: {  	v4 =	vld [tilespmem:s19+$0x9640]  }
0x4b: {  	v5 =	vld [tilespmem:s19+$0x9650];
	v0 =	vmul.f32 $1.000000000e+03, v0  }
0x4c: {  	v6 =	vld [tilespmem:s19+$0x9660];
	v1 =	vmul.f32 $1.000000000e+03, v1  }
0x4d: {  	v7 =	vld [tilespmem:s19+$0x9670];
	[tilespmem:s19+$0x9600] =	vst v0;
	v0 =	vmul.f32 $1.000000000e+03, v2  }
0x4e: {  	v8 =	vld [tilespmem:s19+$0x9680];
	[tilespmem:s19+$0x9610] =	vst v1;
	v1 =	vmul.f32 $1.000000000e+03, v3  }
0x4f: {  	v9 =	vld [tilespmem:s19+$0x9690];
	[tilespmem:s19+$0x9620] =	vst v0;
	v0 =	vmul.f32 $1.000000000e+03, v4  }
0x50: {  	v2 =	vmul.f32 $1.000000000e+03, v5;
	[tilespmem:s19+$0x9630] =	vst v1;
	v1 =	vld [tilespmem:s19+$0x96A0]  }
0x51: {  	v3 =	vmul.f32 $1.000000000e+03, v6;
	[tilespmem:s19+$0x9640] =	vst v0;
	v0 =	vld [tilespmem:s19+$0x96B0]  }
0x52: {  	[tilespmem:s19+$0x9650] =	vst v2;
	v2 =	vld [tilespmem:s19+$0x96C0];
	v4 =	vmul.f32 $1.000000000e+03, v7  }
0x53: {  	v6 =	vmul.f32 $1.000000000e+03, v8;
	[tilespmem:s19+$0x9660] =	vst v3;
	v3 =	vld [tilespmem:s19+$0x96D0]  }
0x54: {  	s20 =	simm.s32 $0x400;
	v5 =	vmul.f32 $1.000000000e+03, v9;
	[tilespmem:s19+$0x9670] =	vst v4;
	v4 =	vld [tilespmem:s19+$0x96E0]  }
.LBB2_5:
0x55: {  	s21 =	sshra.s32 s20, $0x2;
	p0 =	sne.s32 s20, $0xC400;
	[tilespmem:s19+$0x9680] =	vst v6;
	v1 =	vmul.f32 $1.000000000e+03, v1;
	v6 =	vld [tilespmem:s19+$0x96F0]  }
0x56: {  	v7 =	vld [tilespmem:s21+$0x9600];
	[tilespmem:s19+$0x9690] =	vst v5;
	v0 =	vmul.f32 $1.000000000e+03, v0  }
0x57: {  	v5 =	vld [tilespmem:s21+$0x9610];
	[tilespmem:s19+$0x96A0] =	vst v1;
	v1 =	vmul.f32 $1.000000000e+03, v2  }
0x58: {  	v2 =	vld [tilespmem:s21+$0x9620];
	[tilespmem:s19+$0x96B0] =	vst v0;
	v0 =	vmul.f32 $1.000000000e+03, v3  }
0x59: {  	v3 =	vld [tilespmem:s21+$0x9630];
	[tilespmem:s19+$0x96C0] =	vst v1;
	v1 =	vmul.f32 $1.000000000e+03, v4  }
0x5a: {  	v4 =	vld [tilespmem:s21+$0x9640];
	[tilespmem:s19+$0x96D0] =	vst v0;
	v0 =	vmul.f32 $1.000000000e+03, v6  }
0x5b: {  	v6 =	vmul.f32 $1.000000000e+03, v7;
	v7 =	vld [tilespmem:s21+$0x9650];
	[tilespmem:s19+$0x96E0] =	vst v1  }
0x5c: {  	v1 =	vmul.f32 $1.000000000e+03, v5;
	v5 =	vld [tilespmem:s21+$0x9660];
	[tilespmem:s19+$0x96F0] =	vst v0;
	s19 =	smov.u32 s21  }
0x5d: {  	[tilespmem:s19+$0x9600] =	vst v6;
	v0 =	vmul.f32 $1.000000000e+03, v2;
	v2 =	vld [tilespmem:s19+$0x9670]  }
0x5e: {  	[tilespmem:s19+$0x9610] =	vst v1;
	v1 =	vmul.f32 $1.000000000e+03, v3;
	v3 =	vld [tilespmem:s19+$0x9680]  }
0x5f: {  	[tilespmem:s19+$0x9620] =	vst v0;
	v0 =	vmul.f32 $1.000000000e+03, v4;
	v4 =	vld [tilespmem:s19+$0x9690]  }
.Ltmp1:
0x60: {  	[tilespmem:s19+$0x9630] =	vst v1;
	v6 =	vmul.f32 $1.000000000e+03, v7;
	v1 =	vld [tilespmem:s19+$0x96A0];
	(pc) =	sbr.rel @p0 .LBB2_5-.Ltmp1, $4  }
0x61: {  	[tilespmem:s19+$0x9640] =	vst v0;
	v5 =	vmul.f32 $1.000000000e+03, v5;
	v0 =	vld [tilespmem:s19+$0x96B0]  }
0x62: {  	[tilespmem:s19+$0x9650] =	vst v6;
	v7 =	vmul.f32 $1.000000000e+03, v2;
	v2 =	vld [tilespmem:s19+$0x96C0]  }
0x63: {  	[tilespmem:s19+$0x9660] =	vst v5;
	v6 =	vmul.f32 $1.000000000e+03, v3;
	v3 =	vld [tilespmem:s19+$0x96D0]  }
0x64: {  	s20 =	sadd.s32 $0x400, s20;
	[tilespmem:s19+$0x9670] =	vst v7;
	v5 =	vmul.f32 $1.000000000e+03, v4;
	v4 =	vld [tilespmem:s19+$0x96E0]  }
0x65: {  	[tilespmem:s19+$0x9680] =	vst v6;
	v1 =	vmul.f32 $1.000000000e+03, v1;
	v59 =	vld [tilespmem:s19+$0x96F0]  }
0x66: {  	[tilespmem:s19+$0x9690] =	vst v5;
	v0 =	vmul.f32 $1.000000000e+03, v0  }
0x67: {  	[tilespmem:s19+$0x96A0] =	vst v1;
	v60 =	vmul.f32 $1.000000000e+03, v2  }
0x68: {  	[tilespmem:s19+$0x96B0] =	vst v0;
	v61 =	vmul.f32 $1.000000000e+03, v3  }
0x69: {  	s18 =	sadd.s32 s3, s18;
	[tilespmem:s19+$0x96C0] =	vst v60;
	v62 =	vmul.f32 $1.000000000e+03, v4  }
0x6a: {  	s17 =	sadd.s32 $0x1, s17;
	s18 =	smul.u32 $0xC80, s18;
	[tilespmem:s19+$0x96D0] =	vst v61;
	v63 =	vmul.f32 $1.000000000e+03, v59  }
0x6b: {  	p0 =	sne.s32 s17, $0x40;
	[tilespmem:s19+$0x96E0] =	vst v62  }
.Ltmp2:
0x6c: {  	s18 =	sadd.s32 s2, s18;
	[tilespmem:s19+$0x96F0] =	vst v63;
	(pc) =	sbr.rel @p0 .LBB2_2-.Ltmp2, $4  }
0x6d: {  	[hbm4b:s18+s13] =	stream.strided.scatter [tilespmem:s11], [sflag:$0x3], $0x3200, s14, s13, $0x38;
	[tilespmem:$0xC800] =	vst v63  }
0x6e: {  	_ =	swait.ge [sflag:s8], $0x3200  }
0x6f: {  	[sflag:s8] =	ssyncset.done $0x0  }
0x70: {  	[sflag:s8] =	ssyncadd.s32 $0xFFFFCE00  }
0x71: {  	s16 =	sadd.s32 $0x1, s16  }
0x72: {  	p0 =	sne.s32 s16, s7  }
.Ltmp3:
0x73: {  	_ = 	snop;
	(pc) =	sbr.rel @p0 .LBB2_1-.Ltmp3, $1  }
0x74: {  	_ =	sdelay $0x3  }
0x75: {  	_ =	sfence.sel $0x180000  }
0x76: {  	[bflag:$0x0] =	sbarrier.arrive $0xFFFF  }
0x77: {  	p0 =	sne.s32 s0, $0x0;
	_ =	strace $0x90000047  }
0x78: {  	s0 =	sadd.s32 @!p0 $0x100000, s1;
	[bflag:$0x2] =	sbarrier.arrive $0xFFFF  }
0x79: {  	[sflag:s0] =	ssyncadd.tile.s32 @!p0 $0x1;
	_ =	shalt  }
.Lfunc_end2:
_tile_overlayer_lowered:
.L_overlay_start_2:
0x7a: {  	(tag) =	ssettag $0x2  }
0x7b: {  	s0 =	rddreg [dreg:$0x0];
	s2 =	stileid.u32  }
0x7c: {  	s1 =	rddreg [dreg:$0x1];
	p0 =	sne.s32 s2, $0x0  }
0x7d: {  	s3 =	rddreg [dreg:$0x2];
	[bflag:$0x3] =	sbarrier.arrive $0xFFFF;
	s2 =	simm.s32 @!p0 $0x1C03  }
0x7e: {  	[timem:s3], [sflag:s2] =	dma.local @!p0 [hbm:s0], s1  }
0x7f: {  	s0 =	simm.s32 @!p0 $0x3  }
0x80: {  	_ =	swait.ge @!p0 [sflag:s0], s1  }
0x81: {  	s1 =	ssub.s32 @!p0 $0x0, s1;
	[sflag:s0] =	ssyncset.done @!p0 $0x0  }
0x82: {  	[sflag:s0] =	ssyncadd.s32 @!p0 s1  }
0x83: {  	[bflag:$0x3] =	sbarrier.arrive $0xFFFF  }
0x84: {  	_ =	shalt  }

</sc_bundles>
